<compile_context>
chip_gen: v7x
topology: tpu7x:2x2x1
jax: 0.10.2.dev20260603
libtpu: 0.0.44.dev20260713+nightly
codegen_flags: <defaults>
</compile_context>

<pallas_src>
import functools
import jax
import jax.numpy as jnp
from jax import lax
from jax.experimental import pallas as pl
from jax.experimental.pallas import tpu as pltpu
from jax.experimental.pallas import tpu_sc as plsc

B, L, D = 8, 256, 1024
NL = 24
E = 96
K = 2
H = 128
CAP = 128
NCLS = 2
N = B * L
EPAD = 128
NEG = -1e30


def _router_body(last_r, wd_r, wg_r, bd_r, row_r, gate_r, batch_r,
                 x_r, c_r):
    moe = jnp.dot(last_r[...], wd_r[...], preferred_element_type=jnp.float32)
    moe = moe + bd_r[0:1, :]
    clean = jnp.dot(moe, wg_r[...], preferred_element_type=jnp.float32)

    lane = lax.broadcasted_iota(jnp.int32, (N, EPAD), 1)
    cleanm = jnp.where(lane < E, clean, NEG)

    m1 = jnp.max(cleanm, axis=1, keepdims=True)
    a1 = jnp.min(jnp.where(cleanm == m1, lane, EPAD), axis=1, keepdims=True)
    clean2 = jnp.where(lane == a1, NEG, cleanm)
    m2 = jnp.max(clean2, axis=1, keepdims=True)
    a2 = jnp.min(jnp.where(clean2 == m2, lane, EPAD), axis=1, keepdims=True)
    g1 = 1.0 / (1.0 + jnp.exp(m2 - m1))
    g2 = 1.0 - g1

    oh1 = (lane == a1).astype(jnp.float32)
    oh2 = (lane == a2).astype(jnp.float32)
    X = oh1 + oh2

    BLK = 256
    r_i = lax.broadcasted_iota(jnp.int32, (BLK, BLK), 0)
    c_i = lax.broadcasted_iota(jnp.int32, (BLK, BLK), 1)
    tri = (r_i > c_i).astype(jnp.float32)

    x_r[...] = X

    def step(i, run):
        xb = x_r[pl.ds(i * BLK, BLK), :]
        cb = jnp.dot(tri, xb, preferred_element_type=jnp.float32) + run
        c_r[pl.ds(i * BLK, BLK), :] = cb
        return run + jnp.sum(xb, axis=0, keepdims=True)

    run0 = jnp.zeros((1, EPAD), jnp.float32)
    lax.fori_loop(0, N // BLK, step, run0)
    C = c_r[...]

    pos1 = jnp.sum(C * oh1, axis=1, keepdims=True)
    pos2 = jnp.sum(C * oh2, axis=1, keepdims=True)
    keep1 = pos1 < CAP
    keep2 = pos2 < CAP
    posl = lax.broadcasted_iota(jnp.int32, (N, CAP), 1).astype(jnp.float32)
    ohp1 = jnp.where((posl == pos1) & keep1, 1.0, 0.0)
    ohp2 = jnp.where((posl == pos2) & keep2, 1.0, 0.0)

    tok = lax.broadcasted_iota(jnp.int32, (N, 1), 0).astype(jnp.float32)
    batch = jnp.floor(tok * (1.0 / L))
    row1 = jnp.floor(a1.astype(jnp.float32) * (1.0 / (E // NL))) * N + tok
    row2 = jnp.floor(a2.astype(jnp.float32) * (1.0 / (E // NL))) * N + tok

    dn = (((0,), (0,)), ((), ()))

    def tab(oh, ohp, val):
        return lax.dot_general(oh, ohp * val, dn,
                               preferred_element_type=jnp.float32,
                               precision=lax.Precision.HIGHEST)

    row_r[...] = tab(oh1, ohp1, row1) + tab(oh2, ohp2, row2)
    gate_r[...] = tab(oh1, ohp1, g1) + tab(oh2, ohp2, g2)
    batch_r[...] = tab(oh1, ohp1, batch) + tab(oh2, ohp2, batch)


def _router_call(last2d, wd_sl, wg_pad, bd2d):
    out = [
        jax.ShapeDtypeStruct((EPAD, CAP), jnp.float32),
        jax.ShapeDtypeStruct((EPAD, CAP), jnp.float32),
        jax.ShapeDtypeStruct((EPAD, CAP), jnp.float32),
    ]
    return pl.pallas_call(
        _router_body,
        out_shape=out,
        scratch_shapes=[
            pltpu.VMEM((N, EPAD), jnp.float32),
            pltpu.VMEM((N, EPAD), jnp.float32),
        ],
    )(last2d, wd_sl, wg_pad, bd2d)


_SC_CHUNK = 24
_SC_NBUF = 4


def _sc_gather(hid2d, idx):
    info = plsc.get_sparse_core_info()
    nw = info.num_cores * info.num_subcores
    nrows = idx.shape[0]
    per_w = nrows // nw
    nchunk = per_w // _SC_CHUNK
    mesh = plsc.VectorSubcoreMesh(core_axis_name="c", subcore_axis_name="s")

    @functools.partial(
        pl.kernel,
        out_type=jax.ShapeDtypeStruct((nrows, D), jnp.float32),
        mesh=mesh,
        scratch_types=[
            pltpu.VMEM((per_w,), jnp.int32),
        ] + [pltpu.VMEM((_SC_CHUNK, D), jnp.float32)] * _SC_NBUF
          + [pltpu.SemaphoreType.DMA] * (2 * _SC_NBUF),
        compiler_params=pltpu.CompilerParams(use_tc_tiling_on_sc=True),
    )
    def gather_k(hid_hbm, idx_hbm, out_hbm, idx_v, *bufsem):
        bufs = bufsem[:_SC_NBUF]
        gsem = bufsem[_SC_NBUF:2 * _SC_NBUF]
        osem = bufsem[2 * _SC_NBUF:]
        wid = lax.axis_index("s") * info.num_cores + lax.axis_index("c")
        base = wid * per_w
        pltpu.sync_copy(idx_hbm.at[pl.ds(base, per_w)], idx_v)

        def gather_cp(c):
            b = c % _SC_NBUF
            return pltpu.make_async_copy(
                hid_hbm.at[idx_v.at[pl.ds(c * _SC_CHUNK, _SC_CHUNK)]],
                bufs[b], gsem[b])

        def out_cp(c):
            b = c % _SC_NBUF
            return pltpu.make_async_copy(
                bufs[b], out_hbm.at[pl.ds(base + c * _SC_CHUNK, _SC_CHUNK)],
                osem[b])

        for c in range(_SC_NBUF):
            gather_cp(c).start()
        for c in range(nchunk):
            gather_cp(c).wait()
            out_cp(c).start()
            n = c + _SC_NBUF
            if n < nchunk:
                out_cp(n - _SC_NBUF).wait()
                gather_cp(n).start()
        for c in range(nchunk - _SC_NBUF, nchunk):
            out_cp(c).wait()

    return gather_k(hid2d, idx)


def _expert_body(feats_r, w1_r, b1_r, w2_r, b2_r, wc_r, gate_r, batch_r,
                 bc_r, out_r, acc_r):
    e = pl.program_id(0)
    h = jnp.dot(feats_r[0], w1_r[0], preferred_element_type=jnp.float32)
    h = jnp.maximum(h + b1_r[0], 0.0)
    Ve = jnp.dot(w2_r[0], wc_r[...], preferred_element_type=jnp.float32)
    y = jnp.dot(h, Ve, preferred_element_type=jnp.float32)
    y = y + jnp.dot(b2_r[0], wc_r[...], preferred_element_type=jnp.float32)

    srow = lax.broadcasted_iota(jnp.int32, (B, CAP), 0).astype(jnp.float32)
    M = jnp.where(srow == batch_r[0], gate_r[0], 0.0)
    contrib = jnp.dot(M, y, preferred_element_type=jnp.float32)

    @pl.when(e == 0)
    def _init():
        acc_r[...] = jnp.zeros_like(acc_r)

    acc_r[...] += contrib

    @pl.when(e == E - 1)
    def _fini():
        out_r[...] = acc_r[...] * (1.0 / L) + bc_r[...]


def _expert_call(feats3, W1, b1_3, W2, b2_3, wc_pad, gate3, batch3, bc2d):
    grid = (E,)
    specs = [
        pl.BlockSpec((1, CAP, D), lambda e: (e, 0, 0)),
        pl.BlockSpec((1, D, H), lambda e: (e, 0, 0)),
        pl.BlockSpec((1, 1, H), lambda e: (e, 0, 0)),
        pl.BlockSpec((1, H, D), lambda e: (e, 0, 0)),
        pl.BlockSpec((1, 1, D), lambda e: (e, 0, 0)),
        pl.BlockSpec((D, EPAD), lambda e: (0, 0)),
        pl.BlockSpec((1, 1, CAP), lambda e: (e, 0, 0)),
        pl.BlockSpec((1, 1, CAP), lambda e: (e, 0, 0)),
        pl.BlockSpec((B, EPAD), lambda e: (0, 0)),
    ]
    return pl.pallas_call(
        _expert_body,
        grid=grid,
        in_specs=specs,
        out_specs=pl.BlockSpec((B, EPAD), lambda e: (0, 0)),
        out_shape=jax.ShapeDtypeStruct((B, EPAD), jnp.float32),
        scratch_shapes=[pltpu.VMEM((B, EPAD), jnp.float32)],
    )(feats3, W1, b1_3, W2, b2_3, wc_pad, gate3, batch3, bc2d)


def kernel(last, hidden_all, Wd, bd, w_gate, W1, b1, W2, b2, Wc, bc):
    last2d = last.reshape(N, D)
    wd_sl = Wd[:D]
    wg_pad = jnp.pad(w_gate, ((0, 0), (0, EPAD - E)))
    bd2d = jnp.broadcast_to(bd[None, :], (8, D))

    row_t, gate_t, batch_t = _router_call(last2d, wd_sl, wg_pad, bd2d)

    idx = jnp.rint(row_t[:E]).astype(jnp.int32).reshape(E * CAP)
    hid2d = hidden_all.reshape(NL * N, D)
    feats = _sc_gather(hid2d, idx)

    feats3 = feats.reshape(E, CAP, D)
    gate3 = gate_t[:E].reshape(E, 1, CAP)
    batch3 = batch_t[:E].reshape(E, 1, CAP)
    b1_3 = b1.reshape(E, 1, H)
    b2_3 = b2.reshape(E, 1, D)
    wc_pad = jnp.pad(Wc, ((0, 0), (0, EPAD - NCLS)))
    bc2d = jnp.broadcast_to(
        jnp.pad(bc, (0, EPAD - NCLS))[None, :], (B, EPAD))

    out = _expert_call(feats3, W1, b1_3, W2, b2_3, wc_pad, gate3, batch3,
                       bc2d)
    return out[:, :NCLS]

# --- scband reference (transcript-rebuilt; emitter-appended) ---
"""Pipeline reference for scband-model-70446053589152 (READ-ONLY COPY).

The authoritative reference and input builder live on the scoring server;
editing this copy changes nothing except your own understanding.
"""

import jax, jax.numpy as jnp
import numpy as np

B, L, D = 8, 256, 1024
NL = 24
E = 96
K = 2
H = 128
CAP = 128
NCLS = 2


def setup_inputs(seed: int = 0) -> dict:
    key = jax.random.key(seed)
    ks = jax.random.split(key, 8)
    s = lambda k, shape: jax.random.normal(k, shape, dtype=jnp.float32) * 0.02
    return {
        "last": jax.random.normal(ks[0], (B, L, D), dtype=jnp.float32),
        "hidden_all": jax.random.normal(ks[1], (NL, B * L, D), dtype=jnp.float32),
        "Wd": s(ks[2], (2 * D, D)),
        "bd": jnp.zeros((D,), jnp.float32),
        "w_gate": s(ks[3], (D, E)),
        "W1": s(ks[4], (E, D, H)),
        "b1": jnp.zeros((E, H), jnp.float32),
        "W2": s(ks[5], (E, H, D)),
        "b2": jnp.zeros((E, D), jnp.float32),
        "Wc": s(ks[6], (D, NCLS)),
        "bc": jnp.zeros((NCLS,), jnp.float32),
    }


def _forward(last, hidden_all, Wd, bd, w_gate, W1, b1, W2, b2, Wc, bc):
    Bq, Lq, Dq = last.shape
    N = Bq * Lq
    # delta_uq inference path: anchor = x, so two = [a_last, x_last - a_last] = [last, 0]
    two = jnp.concatenate([last, jnp.zeros_like(last)], axis=-1)
    last_feat = two @ Wd + bd
    moe_in = last_feat.reshape(N, Dq)
    hid = hidden_all.reshape(NL, N, Dq)
    # noisy top-k gating, eval mode (no noise added at inference)
    clean = moe_in @ w_gate
    top_logits, top_idx = jax.lax.top_k(clean, K)
    top_gates = jax.nn.softmax(top_logits, axis=-1)
    expert_idx = top_idx.reshape(-1)
    gate_vals = top_gates.reshape(-1)
    token_idx = jnp.repeat(jnp.arange(N), K)
    # capacity-based dispatch (position within expert via cumsum of one-hot)
    oh = jax.nn.one_hot(expert_idx, E, dtype=jnp.int32)
    pos = jnp.sum((jnp.cumsum(oh, axis=0) - 1) * oh, axis=1)
    keep = pos < CAP
    pos_c = jnp.where(keep, pos, CAP)
    # expert e consumes hidden state of layer e // moe_experts (24 groups of 4 experts)
    layer_of = expert_idx // (E // NL)
    feats = hid[layer_of, token_idx]
    buf = jnp.zeros((E, CAP + 1, Dq), jnp.float32).at[expert_idx, pos_c].set(feats)
    buf = buf[:, :CAP]
    h = jax.nn.relu(jnp.einsum('ecd,edh->ech', buf, W1) + b1[:, None, :])
    y = jnp.einsum('ech,ehd->ecd', h, W2) + b2[:, None, :]
    y2 = jnp.concatenate([y, jnp.zeros((E, 1, Dq), jnp.float32)], axis=1)
    slot_out = y2[expert_idx, pos_c]
    combined = jnp.zeros((N, Dq), jnp.float32).at[token_idx].add(
        gate_vals[:, None] * slot_out * keep[:, None].astype(jnp.float32))
    fused = combined.reshape(Bq, Lq, Dq)
    # classifier head proxy (W2VAASIST): temporal mean-pool + linear to 2 classes
    pooled = fused.mean(axis=1)
    return pooled @ Wc + bc


def reference(last, hidden_all, Wd, bd, w_gate, W1, b1, W2, b2, Wc, bc):
    return _forward(last, hidden_all, Wd, bd, w_gate, W1, b1, W2, b2, Wc, bc)

if __name__ == "__main__":
    import jax
    _d = setup_inputs()
    print(jax.jit(kernel)(*tuple(_d.values())))

</pallas_src>

<mosaic_0001>
#map = affine_map<(d0, d1) -> (0, 0)>
#map1 = affine_map<(d0, d1) -> (0)>
module attributes {stable_mosaic.version = 14 : i64} {
  func.func @gather_k(%arg0: i32, %arg1: i32, %arg2: memref<49152x1024xf32, #tpu.memory_space<hbm>>, %arg3: memref<12288xi32, #tpu.memory_space<hbm>>, %arg4: memref<12288x1024xf32, #tpu.memory_space<hbm>>, %arg5: memref<384xi32, #tpu.memory_space<vmem>>, %arg6: memref<24x1024xf32, #tpu.memory_space<vmem>>, %arg7: memref<24x1024xf32, #tpu.memory_space<vmem>>, %arg8: memref<24x1024xf32, #tpu.memory_space<vmem>>, %arg9: memref<24x1024xf32, #tpu.memory_space<vmem>>, %arg10: memref<!tpu.dma_semaphore, #tpu.memory_space<semaphore_mem>>, %arg11: memref<!tpu.dma_semaphore, #tpu.memory_space<semaphore_mem>>, %arg12: memref<!tpu.dma_semaphore, #tpu.memory_space<semaphore_mem>>, %arg13: memref<!tpu.dma_semaphore, #tpu.memory_space<semaphore_mem>>, %arg14: memref<!tpu.dma_semaphore, #tpu.memory_space<semaphore_mem>>, %arg15: memref<!tpu.dma_semaphore, #tpu.memory_space<semaphore_mem>>, %arg16: memref<!tpu.dma_semaphore, #tpu.memory_space<semaphore_mem>>, %arg17: memref<!tpu.dma_semaphore, #tpu.memory_space<semaphore_mem>>) attributes {dimension_semantics = [#tpu.dimension_semantics<core_parallel>, #tpu.dimension_semantics<subcore_parallel>], iteration_bounds = array<i64: 2, 16>, scalar_prefetch = 0 : i64, scratch_operands = 13 : i64, tpu.core_type = #tpu.core_type<sc_vector_subcore>, window_params = [{transform_indices = #map}, {transform_indices = #map1}, {transform_indices = #map}]} {
    %mul3A = arith.constant 2 : i32
    %mul3A_0 = arith.muli %arg1, %mul3A : i32
    %add3A = arith.addi %mul3A_0, %arg0 : i32
    %mul3A_1 = arith.constant 384 : i32
    %mul3A_2 = arith.muli %add3A, %mul3A_1 : i32
    "tpu.region"() ({
      %run_scoped3A = tpu.sem_alloc : memref<!tpu.dma_semaphore, #tpu.memory_space<semaphore_mem>>
      %dma_start3A_353 = tpu.memref_slice %arg3[%mul3A_2] : memref<12288xi32, #tpu.memory_space<hbm>> -> memref<384xi32, #tpu.memory_space<hbm>>
      %dma_start3A_354 = tpu.memref_slice %arg3[%mul3A_2] : memref<12288xi32, #tpu.memory_space<hbm>> -> memref<384xi32, #tpu.memory_space<hbm>>
      tpu.enqueue_dma source(%dma_start3A_354 : memref<384xi32, #tpu.memory_space<hbm>>) target(%arg5 : memref<384xi32, #tpu.memory_space<vmem>>) target_semaphore(%run_scoped3A : memref<!tpu.dma_semaphore, #tpu.memory_space<semaphore_mem>>)
      %dma_wait3A_355 = tpu.memref_slice %arg3[%mul3A_2] : memref<12288xi32, #tpu.memory_space<hbm>> -> memref<384xi32, #tpu.memory_space<hbm>>
      %dma_wait3A_356 = tpu.memref_slice %arg3[%mul3A_2] : memref<12288xi32, #tpu.memory_space<hbm>> -> memref<384xi32, #tpu.memory_space<hbm>>
      tpu.wait_dma2 semaphore(%run_scoped3A : memref<!tpu.dma_semaphore, #tpu.memory_space<semaphore_mem>>) src(%dma_wait3A_356 : memref<384xi32, #tpu.memory_space<hbm>>) dst(%arg5 : memref<384xi32, #tpu.memory_space<vmem>>)
      tpu.yield
    }) : () -> ()
    %dma_start3A = arith.constant 0 : i32
    %dma_start3A_3 = tpu.memref_slice %arg5[%dma_start3A] : memref<384xi32, #tpu.memory_space<vmem>> -> memref<24xi32, #tpu.memory_space<vmem>>
    %dma_start3A_4 = arith.constant 0 : i32
    %dma_start3A_5 = arith.constant 0 : i32
    %dma_start3A_6 = tpu.memref_slice %arg2[%dma_start3A_4, %dma_start3A_5] : memref<49152x1024xf32, #tpu.memory_space<hbm>> -> memref<49152x1024xf32, #tpu.memory_space<hbm>>
    tpu.enqueue_indirect_dma source(%dma_start3A_6 : memref<49152x1024xf32, #tpu.memory_space<hbm>>) target(%arg6 : memref<24x1024xf32, #tpu.memory_space<vmem>>) offsets(%dma_start3A_3 : memref<24xi32, #tpu.memory_space<vmem>>) semaphore(%arg10 : memref<!tpu.dma_semaphore, #tpu.memory_space<semaphore_mem>>)
    %dma_start3A_7 = arith.constant 24 : i32
    %dma_start3A_8 = tpu.memref_slice %arg5[%dma_start3A_7] : memref<384xi32, #tpu.memory_space<vmem>> -> memref<24xi32, #tpu.memory_space<vmem>>
    %dma_start3A_9 = arith.constant 0 : i32
    %dma_start3A_10 = arith.constant 0 : i32
    %dma_start3A_11 = tpu.memref_slice %arg2[%dma_start3A_9, %dma_start3A_10] : memref<49152x1024xf32, #tpu.memory_space<hbm>> -> memref<49152x1024xf32, #tpu.memory_space<hbm>>
    tpu.enqueue_indirect_dma source(%dma_start3A_11 : memref<49152x1024xf32, #tpu.memory_space<hbm>>) target(%arg7 : memref<24x1024xf32, #tpu.memory_space<vmem>>) offsets(%dma_start3A_8 : memref<24xi32, #tpu.memory_space<vmem>>) semaphore(%arg11 : memref<!tpu.dma_semaphore, #tpu.memory_space<semaphore_mem>>)
    %dma_start3A_12 = arith.constant 48 : i32
    %dma_start3A_13 = tpu.memref_slice %arg5[%dma_start3A_12] : memref<384xi32, #tpu.memory_space<vmem>> -> memref<24xi32, #tpu.memory_space<vmem>>
    %dma_start3A_14 = arith.constant 0 : i32
    %dma_start3A_15 = arith.constant 0 : i32
    %dma_start3A_16 = tpu.memref_slice %arg2[%dma_start3A_14, %dma_start3A_15] : memref<49152x1024xf32, #tpu.memory_space<hbm>> -> memref<49152x1024xf32, #tpu.memory_space<hbm>>
    tpu.enqueue_indirect_dma source(%dma_start3A_16 : memref<49152x1024xf32, #tpu.memory_space<hbm>>) target(%arg8 : memref<24x1024xf32, #tpu.memory_space<vmem>>) offsets(%dma_start3A_13 : memref<24xi32, #tpu.memory_space<vmem>>) semaphore(%arg12 : memref<!tpu.dma_semaphore, #tpu.memory_space<semaphore_mem>>)
    %dma_start3A_17 = arith.constant 72 : i32
    %dma_start3A_18 = tpu.memref_slice %arg5[%dma_start3A_17] : memref<384xi32, #tpu.memory_space<vmem>> -> memref<24xi32, #tpu.memory_space<vmem>>
    %dma_start3A_19 = arith.constant 0 : i32
    %dma_start3A_20 = arith.constant 0 : i32
    %dma_start3A_21 = tpu.memref_slice %arg2[%dma_start3A_19, %dma_start3A_20] : memref<49152x1024xf32, #tpu.memory_space<hbm>> -> memref<49152x1024xf32, #tpu.memory_space<hbm>>
    tpu.enqueue_indirect_dma source(%dma_start3A_21 : memref<49152x1024xf32, #tpu.memory_space<hbm>>) target(%arg9 : memref<24x1024xf32, #tpu.memory_space<vmem>>) offsets(%dma_start3A_18 : memref<24xi32, #tpu.memory_space<vmem>>) semaphore(%arg13 : memref<!tpu.dma_semaphore, #tpu.memory_space<semaphore_mem>>)
    %dma_wait3A = arith.constant 0 : i32
    %dma_wait3A_22 = tpu.memref_slice %arg5[%dma_wait3A] : memref<384xi32, #tpu.memory_space<vmem>> -> memref<24xi32, #tpu.memory_space<vmem>>
    %dma_wait3A_23 = arith.constant 0 : i32
    %dma_wait3A_24 = arith.constant 0 : i32
    %dma_wait3A_25 = tpu.memref_slice %arg2[%dma_wait3A_23, %dma_wait3A_24] : memref<49152x1024xf32, #tpu.memory_space<hbm>> -> memref<49152x1024xf32, #tpu.memory_space<hbm>>
    tpu.wait_indirect_dma semaphore(%arg10 : memref<!tpu.dma_semaphore, #tpu.memory_space<semaphore_mem>>) src(%dma_wait3A_25 : memref<49152x1024xf32, #tpu.memory_space<hbm>>) dst(%arg6 : memref<24x1024xf32, #tpu.memory_space<vmem>>)
    %add3A_26 = arith.constant 0 : i32
    %add3A_27 = arith.addi %mul3A_2, %add3A_26 : i32
    %dma_start3A_28 = arith.constant 0 : i32
    %dma_start3A_29 = tpu.memref_slice %arg4[%add3A_27, %dma_start3A_28] : memref<12288x1024xf32, #tpu.memory_space<hbm>> -> memref<24x1024xf32, #tpu.memory_space<hbm>>
    %dma_start3A_30 = arith.constant 0 : i32
    %dma_start3A_31 = tpu.memref_slice %arg4[%add3A_27, %dma_start3A_30] : memref<12288x1024xf32, #tpu.memory_space<hbm>> -> memref<24x1024xf32, #tpu.memory_space<hbm>>
    tpu.enqueue_dma source(%arg6 : memref<24x1024xf32, #tpu.memory_space<vmem>>) target(%dma_start3A_31 : memref<24x1024xf32, #tpu.memory_space<hbm>>) target_semaphore(%arg14 : memref<!tpu.dma_semaphore, #tpu.memory_space<semaphore_mem>>)
    %add3A_32 = arith.constant 0 : i32
    %add3A_33 = arith.addi %mul3A_2, %add3A_32 : i32
    %dma_wait3A_34 = arith.constant 0 : i32
    %dma_wait3A_35 = tpu.memref_slice %arg4[%add3A_33, %dma_wait3A_34] : memref<12288x1024xf32, #tpu.memory_space<hbm>> -> memref<24x1024xf32, #tpu.memory_space<hbm>>
    %dma_wait3A_36 = arith.constant 0 : i32
    %dma_wait3A_37 = tpu.memref_slice %arg4[%add3A_33, %dma_wait3A_36] : memref<12288x1024xf32, #tpu.memory_space<hbm>> -> memref<24x1024xf32, #tpu.memory_space<hbm>>
    tpu.wait_dma2 semaphore(%arg14 : memref<!tpu.dma_semaphore, #tpu.memory_space<semaphore_mem>>) src(%arg6 : memref<24x1024xf32, #tpu.memory_space<vmem>>) dst(%dma_wait3A_37 : memref<24x1024xf32, #tpu.memory_space<hbm>>)
    %dma_start3A_38 = arith.constant 96 : i32
    %dma_start3A_39 = tpu.memref_slice %arg5[%dma_start3A_38] : memref<384xi32, #tpu.memory_space<vmem>> -> memref<24xi32, #tpu.memory_space<vmem>>
    %dma_start3A_40 = arith.constant 0 : i32
    %dma_start3A_41 = arith.constant 0 : i32
    %dma_start3A_42 = tpu.memref_slice %arg2[%dma_start3A_40, %dma_start3A_41] : memref<49152x1024xf32, #tpu.memory_space<hbm>> -> memref<49152x1024xf32, #tpu.memory_space<hbm>>
    tpu.enqueue_indirect_dma source(%dma_start3A_42 : memref<49152x1024xf32, #tpu.memory_space<hbm>>) target(%arg6 : memref<24x1024xf32, #tpu.memory_space<vmem>>) offsets(%dma_start3A_39 : memref<24xi32, #tpu.memory_space<vmem>>) semaphore(%arg10 : memref<!tpu.dma_semaphore, #tpu.memory_space<semaphore_mem>>)
    %dma_wait3A_43 = arith.constant 24 : i32
    %dma_wait3A_44 = tpu.memref_slice %arg5[%dma_wait3A_43] : memref<384xi32, #tpu.memory_space<vmem>> -> memref<24xi32, #tpu.memory_space<vmem>>
    %dma_wait3A_45 = arith.constant 0 : i32
    %dma_wait3A_46 = arith.constant 0 : i32
    %dma_wait3A_47 = tpu.memref_slice %arg2[%dma_wait3A_45, %dma_wait3A_46] : memref<49152x1024xf32, #tpu.memory_space<hbm>> -> memref<49152x1024xf32, #tpu.memory_space<hbm>>
    tpu.wait_indirect_dma semaphore(%arg11 : memref<!tpu.dma_semaphore, #tpu.memory_space<semaphore_mem>>) src(%dma_wait3A_47 : memref<49152x1024xf32, #tpu.memory_space<hbm>>) dst(%arg7 : memref<24x1024xf32, #tpu.memory_space<vmem>>)
    %add3A_48 = arith.constant 24 : i32
    %add3A_49 = arith.addi %mul3A_2, %add3A_48 : i32
    %dma_start3A_50 = arith.constant 0 : i32
    %dma_start3A_51 = tpu.memref_slice %arg4[%add3A_49, %dma_start3A_50] : memref<12288x1024xf32, #tpu.memory_space<hbm>> -> memref<24x1024xf32, #tpu.memory_space<hbm>>
    %dma_start3A_52 = arith.constant 0 : i32
    %dma_start3A_53 = tpu.memref_slice %arg4[%add3A_49, %dma_start3A_52] : memref<12288x1024xf32, #tpu.memory_space<hbm>> -> memref<24x1024xf32, #tpu.memory_space<hbm>>
    tpu.enqueue_dma source(%arg7 : memref<24x1024xf32, #tpu.memory_space<vmem>>) target(%dma_start3A_53 : memref<24x1024xf32, #tpu.memory_space<hbm>>) target_semaphore(%arg15 : memref<!tpu.dma_semaphore, #tpu.memory_space<semaphore_mem>>)
    %add3A_54 = arith.constant 24 : i32
    %add3A_55 = arith.addi %mul3A_2, %add3A_54 : i32
    %dma_wait3A_56 = arith.constant 0 : i32
    %dma_wait3A_57 = tpu.memref_slice %arg4[%add3A_55, %dma_wait3A_56] : memref<12288x1024xf32, #tpu.memory_space<hbm>> -> memref<24x1024xf32, #tpu.memory_space<hbm>>
    %dma_wait3A_58 = arith.constant 0 : i32
    %dma_wait3A_59 = tpu.memref_slice %arg4[%add3A_55, %dma_wait3A_58] : memref<12288x1024xf32, #tpu.memory_space<hbm>> -> memref<24x1024xf32, #tpu.memory_space<hbm>>
    tpu.wait_dma2 semaphore(%arg15 : memref<!tpu.dma_semaphore, #tpu.memory_space<semaphore_mem>>) src(%arg7 : memref<24x1024xf32, #tpu.memory_space<vmem>>) dst(%dma_wait3A_59 : memref<24x1024xf32, #tpu.memory_space<hbm>>)
    %dma_start3A_60 = arith.constant 120 : i32
    %dma_start3A_61 = tpu.memref_slice %arg5[%dma_start3A_60] : memref<384xi32, #tpu.memory_space<vmem>> -> memref<24xi32, #tpu.memory_space<vmem>>
    %dma_start3A_62 = arith.constant 0 : i32
    %dma_start3A_63 = arith.constant 0 : i32
    %dma_start3A_64 = tpu.memref_slice %arg2[%dma_start3A_62, %dma_start3A_63] : memref<49152x1024xf32, #tpu.memory_space<hbm>> -> memref<49152x1024xf32, #tpu.memory_space<hbm>>
    tpu.enqueue_indirect_dma source(%dma_start3A_64 : memref<49152x1024xf32, #tpu.memory_space<hbm>>) target(%arg7 : memref<24x1024xf32, #tpu.memory_space<vmem>>) offsets(%dma_start3A_61 : memref<24xi32, #tpu.memory_space<vmem>>) semaphore(%arg11 : memref<!tpu.dma_semaphore, #tpu.memory_space<semaphore_mem>>)
    %dma_wait3A_65 = arith.constant 48 : i32
    %dma_wait3A_66 = tpu.memref_slice %arg5[%dma_wait3A_65] : memref<384xi32, #tpu.memory_space<vmem>> -> memref<24xi32, #tpu.memory_space<vmem>>
    %dma_wait3A_67 = arith.constant 0 : i32
    %dma_wait3A_68 = arith.constant 0 : i32
    %dma_wait3A_69 = tpu.memref_slice %arg2[%dma_wait3A_67, %dma_wait3A_68] : memref<49152x1024xf32, #tpu.memory_space<hbm>> -> memref<49152x1024xf32, #tpu.memory_space<hbm>>
    tpu.wait_indirect_dma semaphore(%arg12 : memref<!tpu.dma_semaphore, #tpu.memory_space<semaphore_mem>>) src(%dma_wait3A_69 : memref<49152x1024xf32, #tpu.memory_space<hbm>>) dst(%arg8 : memref<24x1024xf32, #tpu.memory_space<vmem>>)
    %add3A_70 = arith.constant 48 : i32
    %add3A_71 = arith.addi %mul3A_2, %add3A_70 : i32
    %dma_start3A_72 = arith.constant 0 : i32
    %dma_start3A_73 = tpu.memref_slice %arg4[%add3A_71, %dma_start3A_72] : memref<12288x1024xf32, #tpu.memory_space<hbm>> -> memref<24x1024xf32, #tpu.memory_space<hbm>>
    %dma_start3A_74 = arith.constant 0 : i32
    %dma_start3A_75 = tpu.memref_slice %arg4[%add3A_71, %dma_start3A_74] : memref<12288x1024xf32, #tpu.memory_space<hbm>> -> memref<24x1024xf32, #tpu.memory_space<hbm>>
    tpu.enqueue_dma source(%arg8 : memref<24x1024xf32, #tpu.memory_space<vmem>>) target(%dma_start3A_75 : memref<24x1024xf32, #tpu.memory_space<hbm>>) target_semaphore(%arg16 : memref<!tpu.dma_semaphore, #tpu.memory_space<semaphore_mem>>)
    %add3A_76 = arith.constant 48 : i32
    %add3A_77 = arith.addi %mul3A_2, %add3A_76 : i32
    %dma_wait3A_78 = arith.constant 0 : i32
    %dma_wait3A_79 = tpu.memref_slice %arg4[%add3A_77, %dma_wait3A_78] : memref<12288x1024xf32, #tpu.memory_space<hbm>> -> memref<24x1024xf32, #tpu.memory_space<hbm>>
    %dma_wait3A_80 = arith.constant 0 : i32
    %dma_wait3A_81 = tpu.memref_slice %arg4[%add3A_77, %dma_wait3A_80] : memref<12288x1024xf32, #tpu.memory_space<hbm>> -> memref<24x1024xf32, #tpu.memory_space<hbm>>
    tpu.wait_dma2 semaphore(%arg16 : memref<!tpu.dma_semaphore, #tpu.memory_space<semaphore_mem>>) src(%arg8 : memref<24x1024xf32, #tpu.memory_space<vmem>>) dst(%dma_wait3A_81 : memref<24x1024xf32, #tpu.memory_space<hbm>>)
    %dma_start3A_82 = arith.constant 144 : i32
    %dma_start3A_83 = tpu.memref_slice %arg5[%dma_start3A_82] : memref<384xi32, #tpu.memory_space<vmem>> -> memref<24xi32, #tpu.memory_space<vmem>>
    %dma_start3A_84 = arith.constant 0 : i32
    %dma_start3A_85 = arith.constant 0 : i32
    %dma_start3A_86 = tpu.memref_slice %arg2[%dma_start3A_84, %dma_start3A_85] : memref<49152x1024xf32, #tpu.memory_space<hbm>> -> memref<49152x1024xf32, #tpu.memory_space<hbm>>
    tpu.enqueue_indirect_dma source(%dma_start3A_86 : memref<49152x1024xf32, #tpu.memory_space<hbm>>) target(%arg8 : memref<24x1024xf32, #tpu.memory_space<vmem>>) offsets(%dma_start3A_83 : memref<24xi32, #tpu.memory_space<vmem>>) semaphore(%arg12 : memref<!tpu.dma_semaphore, #tpu.memory_space<semaphore_mem>>)
    %dma_wait3A_87 = arith.constant 72 : i32
    %dma_wait3A_88 = tpu.memref_slice %arg5[%dma_wait3A_87] : memref<384xi32, #tpu.memory_space<vmem>> -> memref<24xi32, #tpu.memory_space<vmem>>
    %dma_wait3A_89 = arith.constant 0 : i32
    %dma_wait3A_90 = arith.constant 0 : i32
    %dma_wait3A_91 = tpu.memref_slice %arg2[%dma_wait3A_89, %dma_wait3A_90] : memref<49152x1024xf32, #tpu.memory_space<hbm>> -> memref<49152x1024xf32, #tpu.memory_space<hbm>>
    tpu.wait_indirect_dma semaphore(%arg13 : memref<!tpu.dma_semaphore, #tpu.memory_space<semaphore_mem>>) src(%dma_wait3A_91 : memref<49152x1024xf32, #tpu.memory_space<hbm>>) dst(%arg9 : memref<24x1024xf32, #tpu.memory_space<vmem>>)
    %add3A_92 = arith.constant 72 : i32
    %add3A_93 = arith.addi %mul3A_2, %add3A_92 : i32
    %dma_start3A_94 = arith.constant 0 : i32
    %dma_start3A_95 = tpu.memref_slice %arg4[%add3A_93, %dma_start3A_94] : memref<12288x1024xf32, #tpu.memory_space<hbm>> -> memref<24x1024xf32, #tpu.memory_space<hbm>>
    %dma_start3A_96 = arith.constant 0 : i32
    %dma_start3A_97 = tpu.memref_slice %arg4[%add3A_93, %dma_start3A_96] : memref<12288x1024xf32, #tpu.memory_space<hbm>> -> memref<24x1024xf32, #tpu.memory_space<hbm>>
    tpu.enqueue_dma source(%arg9 : memref<24x1024xf32, #tpu.memory_space<vmem>>) target(%dma_start3A_97 : memref<24x1024xf32, #tpu.memory_space<hbm>>) target_semaphore(%arg17 : memref<!tpu.dma_semaphore, #tpu.memory_space<semaphore_mem>>)
    %add3A_98 = arith.constant 72 : i32
    %add3A_99 = arith.addi %mul3A_2, %add3A_98 : i32
    %dma_wait3A_100 = arith.constant 0 : i32
    %dma_wait3A_101 = tpu.memref_slice %arg4[%add3A_99, %dma_wait3A_100] : memref<12288x1024xf32, #tpu.memory_space<hbm>> -> memref<24x1024xf32, #tpu.memory_space<hbm>>
    %dma_wait3A_102 = arith.constant 0 : i32
    %dma_wait3A_103 = tpu.memref_slice %arg4[%add3A_99, %dma_wait3A_102] : memref<12288x1024xf32, #tpu.memory_space<hbm>> -> memref<24x1024xf32, #tpu.memory_space<hbm>>
    tpu.wait_dma2 semaphore(%arg17 : memref<!tpu.dma_semaphore, #tpu.memory_space<semaphore_mem>>) src(%arg9 : memref<24x1024xf32, #tpu.memory_space<vmem>>) dst(%dma_wait3A_103 : memref<24x1024xf32, #tpu.memory_space<hbm>>)
    %dma_start3A_104 = arith.constant 168 : i32
    %dma_start3A_105 = tpu.memref_slice %arg5[%dma_start3A_104] : memref<384xi32, #tpu.memory_space<vmem>> -> memref<24xi32, #tpu.memory_space<vmem>>
    %dma_start3A_106 = arith.constant 0 : i32
    %dma_start3A_107 = arith.constant 0 : i32
    %dma_start3A_108 = tpu.memref_slice %arg2[%dma_start3A_106, %dma_start3A_107] : memref<49152x1024xf32, #tpu.memory_space<hbm>> -> memref<49152x1024xf32, #tpu.memory_space<hbm>>
    tpu.enqueue_indirect_dma source(%dma_start3A_108 : memref<49152x1024xf32, #tpu.memory_space<hbm>>) target(%arg9 : memref<24x1024xf32, #tpu.memory_space<vmem>>) offsets(%dma_start3A_105 : memref<24xi32, #tpu.memory_space<vmem>>) semaphore(%arg13 : memref<!tpu.dma_semaphore, #tpu.memory_space<semaphore_mem>>)
    %dma_wait3A_109 = arith.constant 96 : i32
    %dma_wait3A_110 = tpu.memref_slice %arg5[%dma_wait3A_109] : memref<384xi32, #tpu.memory_space<vmem>> -> memref<24xi32, #tpu.memory_space<vmem>>
    %dma_wait3A_111 = arith.constant 0 : i32
    %dma_wait3A_112 = arith.constant 0 : i32
    %dma_wait3A_113 = tpu.memref_slice %arg2[%dma_wait3A_111, %dma_wait3A_112] : memref<49152x1024xf32, #tpu.memory_space<hbm>> -> memref<49152x1024xf32, #tpu.memory_space<hbm>>
    tpu.wait_indirect_dma semaphore(%arg10 : memref<!tpu.dma_semaphore, #tpu.memory_space<semaphore_mem>>) src(%dma_wait3A_113 : memref<49152x1024xf32, #tpu.memory_space<hbm>>) dst(%arg6 : memref<24x1024xf32, #tpu.memory_space<vmem>>)
    %add3A_114 = arith.constant 96 : i32
    %add3A_115 = arith.addi %mul3A_2, %add3A_114 : i32
    %dma_start3A_116 = arith.constant 0 : i32
    %dma_start3A_117 = tpu.memref_slice %arg4[%add3A_115, %dma_start3A_116] : memref<12288x1024xf32, #tpu.memory_space<hbm>> -> memref<24x1024xf32, #tpu.memory_space<hbm>>
    %dma_start3A_118 = arith.constant 0 : i32
    %dma_start3A_119 = tpu.memref_slice %arg4[%add3A_115, %dma_start3A_118] : memref<12288x1024xf32, #tpu.memory_space<hbm>> -> memref<24x1024xf32, #tpu.memory_space<hbm>>
    tpu.enqueue_dma source(%arg6 : memref<24x1024xf32, #tpu.memory_space<vmem>>) target(%dma_start3A_119 : memref<24x1024xf32, #tpu.memory_space<hbm>>) target_semaphore(%arg14 : memref<!tpu.dma_semaphore, #tpu.memory_space<semaphore_mem>>)
    %add3A_120 = arith.constant 96 : i32
    %add3A_121 = arith.addi %mul3A_2, %add3A_120 : i32
    %dma_wait3A_122 = arith.constant 0 : i32
    %dma_wait3A_123 = tpu.memref_slice %arg4[%add3A_121, %dma_wait3A_122] : memref<12288x1024xf32, #tpu.memory_space<hbm>> -> memref<24x1024xf32, #tpu.memory_space<hbm>>
    %dma_wait3A_124 = arith.constant 0 : i32
    %dma_wait3A_125 = tpu.memref_slice %arg4[%add3A_121, %dma_wait3A_124] : memref<12288x1024xf32, #tpu.memory_space<hbm>> -> memref<24x1024xf32, #tpu.memory_space<hbm>>
    tpu.wait_dma2 semaphore(%arg14 : memref<!tpu.dma_semaphore, #tpu.memory_space<semaphore_mem>>) src(%arg6 : memref<24x1024xf32, #tpu.memory_space<vmem>>) dst(%dma_wait3A_125 : memref<24x1024xf32, #tpu.memory_space<hbm>>)
    %dma_start3A_126 = arith.constant 192 : i32
    %dma_start3A_127 = tpu.memref_slice %arg5[%dma_start3A_126] : memref<384xi32, #tpu.memory_space<vmem>> -> memref<24xi32, #tpu.memory_space<vmem>>
    %dma_start3A_128 = arith.constant 0 : i32
    %dma_start3A_129 = arith.constant 0 : i32
    %dma_start3A_130 = tpu.memref_slice %arg2[%dma_start3A_128, %dma_start3A_129] : memref<49152x1024xf32, #tpu.memory_space<hbm>> -> memref<49152x1024xf32, #tpu.memory_space<hbm>>
    tpu.enqueue_indirect_dma source(%dma_start3A_130 : memref<49152x1024xf32, #tpu.memory_space<hbm>>) target(%arg6 : memref<24x1024xf32, #tpu.memory_space<vmem>>) offsets(%dma_start3A_127 : memref<24xi32, #tpu.memory_space<vmem>>) semaphore(%arg10 : memref<!tpu.dma_semaphore, #tpu.memory_space<semaphore_mem>>)
    %dma_wait3A_131 = arith.constant 120 : i32
    %dma_wait3A_132 = tpu.memref_slice %arg5[%dma_wait3A_131] : memref<384xi32, #tpu.memory_space<vmem>> -> memref<24xi32, #tpu.memory_space<vmem>>
    %dma_wait3A_133 = arith.constant 0 : i32
    %dma_wait3A_134 = arith.constant 0 : i32
    %dma_wait3A_135 = tpu.memref_slice %arg2[%dma_wait3A_133, %dma_wait3A_134] : memref<49152x1024xf32, #tpu.memory_space<hbm>> -> memref<49152x1024xf32, #tpu.memory_space<hbm>>
    tpu.wait_indirect_dma semaphore(%arg11 : memref<!tpu.dma_semaphore, #tpu.memory_space<semaphore_mem>>) src(%dma_wait3A_135 : memref<49152x1024xf32, #tpu.memory_space<hbm>>) dst(%arg7 : memref<24x1024xf32, #tpu.memory_space<vmem>>)
    %add3A_136 = arith.constant 120 : i32
    %add3A_137 = arith.addi %mul3A_2, %add3A_136 : i32
    %dma_start3A_138 = arith.constant 0 : i32
    %dma_start3A_139 = tpu.memref_slice %arg4[%add3A_137, %dma_start3A_138] : memref<12288x1024xf32, #tpu.memory_space<hbm>> -> memref<24x1024xf32, #tpu.memory_space<hbm>>
    %dma_start3A_140 = arith.constant 0 : i32
    %dma_start3A_141 = tpu.memref_slice %arg4[%add3A_137, %dma_start3A_140] : memref<12288x1024xf32, #tpu.memory_space<hbm>> -> memref<24x1024xf32, #tpu.memory_space<hbm>>
    tpu.enqueue_dma source(%arg7 : memref<24x1024xf32, #tpu.memory_space<vmem>>) target(%dma_start3A_141 : memref<24x1024xf32, #tpu.memory_space<hbm>>) target_semaphore(%arg15 : memref<!tpu.dma_semaphore, #tpu.memory_space<semaphore_mem>>)
    %add3A_142 = arith.constant 120 : i32
    %add3A_143 = arith.addi %mul3A_2, %add3A_142 : i32
    %dma_wait3A_144 = arith.constant 0 : i32
    %dma_wait3A_145 = tpu.memref_slice %arg4[%add3A_143, %dma_wait3A_144] : memref<12288x1024xf32, #tpu.memory_space<hbm>> -> memref<24x1024xf32, #tpu.memory_space<hbm>>
    %dma_wait3A_146 = arith.constant 0 : i32
    %dma_wait3A_147 = tpu.memref_slice %arg4[%add3A_143, %dma_wait3A_146] : memref<12288x1024xf32, #tpu.memory_space<hbm>> -> memref<24x1024xf32, #tpu.memory_space<hbm>>
    tpu.wait_dma2 semaphore(%arg15 : memref<!tpu.dma_semaphore, #tpu.memory_space<semaphore_mem>>) src(%arg7 : memref<24x1024xf32, #tpu.memory_space<vmem>>) dst(%dma_wait3A_147 : memref<24x1024xf32, #tpu.memory_space<hbm>>)
    %dma_start3A_148 = arith.constant 216 : i32
    %dma_start3A_149 = tpu.memref_slice %arg5[%dma_start3A_148] : memref<384xi32, #tpu.memory_space<vmem>> -> memref<24xi32, #tpu.memory_space<vmem>>
    %dma_start3A_150 = arith.constant 0 : i32
    %dma_start3A_151 = arith.constant 0 : i32
    %dma_start3A_152 = tpu.memref_slice %arg2[%dma_start3A_150, %dma_start3A_151] : memref<49152x1024xf32, #tpu.memory_space<hbm>> -> memref<49152x1024xf32, #tpu.memory_space<hbm>>
    tpu.enqueue_indirect_dma source(%dma_start3A_152 : memref<49152x1024xf32, #tpu.memory_space<hbm>>) target(%arg7 : memref<24x1024xf32, #tpu.memory_space<vmem>>) offsets(%dma_start3A_149 : memref<24xi32, #tpu.memory_space<vmem>>) semaphore(%arg11 : memref<!tpu.dma_semaphore, #tpu.memory_space<semaphore_mem>>)
    %dma_wait3A_153 = arith.constant 144 : i32
    %dma_wait3A_154 = tpu.memref_slice %arg5[%dma_wait3A_153] : memref<384xi32, #tpu.memory_space<vmem>> -> memref<24xi32, #tpu.memory_space<vmem>>
    %dma_wait3A_155 = arith.constant 0 : i32
    %dma_wait3A_156 = arith.constant 0 : i32
    %dma_wait3A_157 = tpu.memref_slice %arg2[%dma_wait3A_155, %dma_wait3A_156] : memref<49152x1024xf32, #tpu.memory_space<hbm>> -> memref<49152x1024xf32, #tpu.memory_space<hbm>>
    tpu.wait_indirect_dma semaphore(%arg12 : memref<!tpu.dma_semaphore, #tpu.memory_space<semaphore_mem>>) src(%dma_wait3A_157 : memref<49152x1024xf32, #tpu.memory_space<hbm>>) dst(%arg8 : memref<24x1024xf32, #tpu.memory_space<vmem>>)
    %add3A_158 = arith.constant 144 : i32
    %add3A_159 = arith.addi %mul3A_2, %add3A_158 : i32
    %dma_start3A_160 = arith.constant 0 : i32
    %dma_start3A_161 = tpu.memref_slice %arg4[%add3A_159, %dma_start3A_160] : memref<12288x1024xf32, #tpu.memory_space<hbm>> -> memref<24x1024xf32, #tpu.memory_space<hbm>>
    %dma_start3A_162 = arith.constant 0 : i32
    %dma_start3A_163 = tpu.memref_slice %arg4[%add3A_159, %dma_start3A_162] : memref<12288x1024xf32, #tpu.memory_space<hbm>> -> memref<24x1024xf32, #tpu.memory_space<hbm>>
    tpu.enqueue_dma source(%arg8 : memref<24x1024xf32, #tpu.memory_space<vmem>>) target(%dma_start3A_163 : memref<24x1024xf32, #tpu.memory_space<hbm>>) target_semaphore(%arg16 : memref<!tpu.dma_semaphore, #tpu.memory_space<semaphore_mem>>)
    %add3A_164 = arith.constant 144 : i32
    %add3A_165 = arith.addi %mul3A_2, %add3A_164 : i32
    %dma_wait3A_166 = arith.constant 0 : i32
    %dma_wait3A_167 = tpu.memref_slice %arg4[%add3A_165, %dma_wait3A_166] : memref<12288x1024xf32, #tpu.memory_space<hbm>> -> memref<24x1024xf32, #tpu.memory_space<hbm>>
    %dma_wait3A_168 = arith.constant 0 : i32
    %dma_wait3A_169 = tpu.memref_slice %arg4[%add3A_165, %dma_wait3A_168] : memref<12288x1024xf32, #tpu.memory_space<hbm>> -> memref<24x1024xf32, #tpu.memory_space<hbm>>
    tpu.wait_dma2 semaphore(%arg16 : memref<!tpu.dma_semaphore, #tpu.memory_space<semaphore_mem>>) src(%arg8 : memref<24x1024xf32, #tpu.memory_space<vmem>>) dst(%dma_wait3A_169 : memref<24x1024xf32, #tpu.memory_space<hbm>>)
    %dma_start3A_170 = arith.constant 240 : i32
    %dma_start3A_171 = tpu.memref_slice %arg5[%dma_start3A_170] : memref<384xi32, #tpu.memory_space<vmem>> -> memref<24xi32, #tpu.memory_space<vmem>>
    %dma_start3A_172 = arith.constant 0 : i32
    %dma_start3A_173 = arith.constant 0 : i32
    %dma_start3A_174 = tpu.memref_slice %arg2[%dma_start3A_172, %dma_start3A_173] : memref<49152x1024xf32, #tpu.memory_space<hbm>> -> memref<49152x1024xf32, #tpu.memory_space<hbm>>
    tpu.enqueue_indirect_dma source(%dma_start3A_174 : memref<49152x1024xf32, #tpu.memory_space<hbm>>) target(%arg8 : memref<24x1024xf32, #tpu.memory_space<vmem>>) offsets(%dma_start3A_171 : memref<24xi32, #tpu.memory_space<vmem>>) semaphore(%arg12 : memref<!tpu.dma_semaphore, #tpu.memory_space<semaphore_mem>>)
    %dma_wait3A_175 = arith.constant 168 : i32
    %dma_wait3A_176 = tpu.memref_slice %arg5[%dma_wait3A_175] : memref<384xi32, #tpu.memory_space<vmem>> -> memref<24xi32, #tpu.memory_space<vmem>>
    %dma_wait3A_177 = arith.constant 0 : i32
    %dma_wait3A_178 = arith.constant 0 : i32
    %dma_wait3A_179 = tpu.memref_slice %arg2[%dma_wait3A_177, %dma_wait3A_178] : memref<49152x1024xf32, #tpu.memory_space<hbm>> -> memref<49152x1024xf32, #tpu.memory_space<hbm>>
    tpu.wait_indirect_dma semaphore(%arg13 : memref<!tpu.dma_semaphore, #tpu.memory_space<semaphore_mem>>) src(%dma_wait3A_179 : memref<49152x1024xf32, #tpu.memory_space<hbm>>) dst(%arg9 : memref<24x1024xf32, #tpu.memory_space<vmem>>)
    %add3A_180 = arith.constant 168 : i32
    %add3A_181 = arith.addi %mul3A_2, %add3A_180 : i32
    %dma_start3A_182 = arith.constant 0 : i32
    %dma_start3A_183 = tpu.memref_slice %arg4[%add3A_181, %dma_start3A_182] : memref<12288x1024xf32, #tpu.memory_space<hbm>> -> memref<24x1024xf32, #tpu.memory_space<hbm>>
    %dma_start3A_184 = arith.constant 0 : i32
    %dma_start3A_185 = tpu.memref_slice %arg4[%add3A_181, %dma_start3A_184] : memref<12288x1024xf32, #tpu.memory_space<hbm>> -> memref<24x1024xf32, #tpu.memory_space<hbm>>
    tpu.enqueue_dma source(%arg9 : memref<24x1024xf32, #tpu.memory_space<vmem>>) target(%dma_start3A_185 : memref<24x1024xf32, #tpu.memory_space<hbm>>) target_semaphore(%arg17 : memref<!tpu.dma_semaphore, #tpu.memory_space<semaphore_mem>>)
    %add3A_186 = arith.constant 168 : i32
    %add3A_187 = arith.addi %mul3A_2, %add3A_186 : i32
    %dma_wait3A_188 = arith.constant 0 : i32
    %dma_wait3A_189 = tpu.memref_slice %arg4[%add3A_187, %dma_wait3A_188] : memref<12288x1024xf32, #tpu.memory_space<hbm>> -> memref<24x1024xf32, #tpu.memory_space<hbm>>
    %dma_wait3A_190 = arith.constant 0 : i32
    %dma_wait3A_191 = tpu.memref_slice %arg4[%add3A_187, %dma_wait3A_190] : memref<12288x1024xf32, #tpu.memory_space<hbm>> -> memref<24x1024xf32, #tpu.memory_space<hbm>>
    tpu.wait_dma2 semaphore(%arg17 : memref<!tpu.dma_semaphore, #tpu.memory_space<semaphore_mem>>) src(%arg9 : memref<24x1024xf32, #tpu.memory_space<vmem>>) dst(%dma_wait3A_191 : memref<24x1024xf32, #tpu.memory_space<hbm>>)
    %dma_start3A_192 = arith.constant 264 : i32
    %dma_start3A_193 = tpu.memref_slice %arg5[%dma_start3A_192] : memref<384xi32, #tpu.memory_space<vmem>> -> memref<24xi32, #tpu.memory_space<vmem>>
    %dma_start3A_194 = arith.constant 0 : i32
    %dma_start3A_195 = arith.constant 0 : i32
    %dma_start3A_196 = tpu.memref_slice %arg2[%dma_start3A_194, %dma_start3A_195] : memref<49152x1024xf32, #tpu.memory_space<hbm>> -> memref<49152x1024xf32, #tpu.memory_space<hbm>>
    tpu.enqueue_indirect_dma source(%dma_start3A_196 : memref<49152x1024xf32, #tpu.memory_space<hbm>>) target(%arg9 : memref<24x1024xf32, #tpu.memory_space<vmem>>) offsets(%dma_start3A_193 : memref<24xi32, #tpu.memory_space<vmem>>) semaphore(%arg13 : memref<!tpu.dma_semaphore, #tpu.memory_space<semaphore_mem>>)
    %dma_wait3A_197 = arith.constant 192 : i32
    %dma_wait3A_198 = tpu.memref_slice %arg5[%dma_wait3A_197] : memref<384xi32, #tpu.memory_space<vmem>> -> memref<24xi32, #tpu.memory_space<vmem>>
    %dma_wait3A_199 = arith.constant 0 : i32
    %dma_wait3A_200 = arith.constant 0 : i32
    %dma_wait3A_201 = tpu.memref_slice %arg2[%dma_wait3A_199, %dma_wait3A_200] : memref<49152x1024xf32, #tpu.memory_space<hbm>> -> memref<49152x1024xf32, #tpu.memory_space<hbm>>
    tpu.wait_indirect_dma semaphore(%arg10 : memref<!tpu.dma_semaphore, #tpu.memory_space<semaphore_mem>>) src(%dma_wait3A_201 : memref<49152x1024xf32, #tpu.memory_space<hbm>>) dst(%arg6 : memref<24x1024xf32, #tpu.memory_space<vmem>>)
    %add3A_202 = arith.constant 192 : i32
    %add3A_203 = arith.addi %mul3A_2, %add3A_202 : i32
    %dma_start3A_204 = arith.constant 0 : i32
    %dma_start3A_205 = tpu.memref_slice %arg4[%add3A_203, %dma_start3A_204] : memref<12288x1024xf32, #tpu.memory_space<hbm>> -> memref<24x1024xf32, #tpu.memory_space<hbm>>
    %dma_start3A_206 = arith.constant 0 : i32
    %dma_start3A_207 = tpu.memref_slice %arg4[%add3A_203, %dma_start3A_206] : memref<12288x1024xf32, #tpu.memory_space<hbm>> -> memref<24x1024xf32, #tpu.memory_space<hbm>>
    tpu.enqueue_dma source(%arg6 : memref<24x1024xf32, #tpu.memory_space<vmem>>) target(%dma_start3A_207 : memref<24x1024xf32, #tpu.memory_space<hbm>>) target_semaphore(%arg14 : memref<!tpu.dma_semaphore, #tpu.memory_space<semaphore_mem>>)
    %add3A_208 = arith.constant 192 : i32
    %add3A_209 = arith.addi %mul3A_2, %add3A_208 : i32
    %dma_wait3A_210 = arith.constant 0 : i32
    %dma_wait3A_211 = tpu.memref_slice %arg4[%add3A_209, %dma_wait3A_210] : memref<12288x1024xf32, #tpu.memory_space<hbm>> -> memref<24x1024xf32, #tpu.memory_space<hbm>>
    %dma_wait3A_212 = arith.constant 0 : i32
    %dma_wait3A_213 = tpu.memref_slice %arg4[%add3A_209, %dma_wait3A_212] : memref<12288x1024xf32, #tpu.memory_space<hbm>> -> memref<24x1024xf32, #tpu.memory_space<hbm>>
    tpu.wait_dma2 semaphore(%arg14 : memref<!tpu.dma_semaphore, #tpu.memory_space<semaphore_mem>>) src(%arg6 : memref<24x1024xf32, #tpu.memory_space<vmem>>) dst(%dma_wait3A_213 : memref<24x1024xf32, #tpu.memory_space<hbm>>)
    %dma_start3A_214 = arith.constant 288 : i32
    %dma_start3A_215 = tpu.memref_slice %arg5[%dma_start3A_214] : memref<384xi32, #tpu.memory_space<vmem>> -> memref<24xi32, #tpu.memory_space<vmem>>
    %dma_start3A_216 = arith.constant 0 : i32
    %dma_start3A_217 = arith.constant 0 : i32
    %dma_start3A_218 = tpu.memref_slice %arg2[%dma_start3A_216, %dma_start3A_217] : memref<49152x1024xf32, #tpu.memory_space<hbm>> -> memref<49152x1024xf32, #tpu.memory_space<hbm>>
    tpu.enqueue_indirect_dma source(%dma_start3A_218 : memref<49152x1024xf32, #tpu.memory_space<hbm>>) target(%arg6 : memref<24x1024xf32, #tpu.memory_space<vmem>>) offsets(%dma_start3A_215 : memref<24xi32, #tpu.memory_space<vmem>>) semaphore(%arg10 : memref<!tpu.dma_semaphore, #tpu.memory_space<semaphore_mem>>)
    %dma_wait3A_219 = arith.constant 216 : i32
    %dma_wait3A_220 = tpu.memref_slice %arg5[%dma_wait3A_219] : memref<384xi32, #tpu.memory_space<vmem>> -> memref<24xi32, #tpu.memory_space<vmem>>
    %dma_wait3A_221 = arith.constant 0 : i32
    %dma_wait3A_222 = arith.constant 0 : i32
    %dma_wait3A_223 = tpu.memref_slice %arg2[%dma_wait3A_221, %dma_wait3A_222] : memref<49152x1024xf32, #tpu.memory_space<hbm>> -> memref<49152x1024xf32, #tpu.memory_space<hbm>>
    tpu.wait_indirect_dma semaphore(%arg11 : memref<!tpu.dma_semaphore, #tpu.memory_space<semaphore_mem>>) src(%dma_wait3A_223 : memref<49152x1024xf32, #tpu.memory_space<hbm>>) dst(%arg7 : memref<24x1024xf32, #tpu.memory_space<vmem>>)
    %add3A_224 = arith.constant 216 : i32
    %add3A_225 = arith.addi %mul3A_2, %add3A_224 : i32
    %dma_start3A_226 = arith.constant 0 : i32
    %dma_start3A_227 = tpu.memref_slice %arg4[%add3A_225, %dma_start3A_226] : memref<12288x1024xf32, #tpu.memory_space<hbm>> -> memref<24x1024xf32, #tpu.memory_space<hbm>>
    %dma_start3A_228 = arith.constant 0 : i32
    %dma_start3A_229 = tpu.memref_slice %arg4[%add3A_225, %dma_start3A_228] : memref<12288x1024xf32, #tpu.memory_space<hbm>> -> memref<24x1024xf32, #tpu.memory_space<hbm>>
    tpu.enqueue_dma source(%arg7 : memref<24x1024xf32, #tpu.memory_space<vmem>>) target(%dma_start3A_229 : memref<24x1024xf32, #tpu.memory_space<hbm>>) target_semaphore(%arg15 : memref<!tpu.dma_semaphore, #tpu.memory_space<semaphore_mem>>)
    %add3A_230 = arith.constant 216 : i32
    %add3A_231 = arith.addi %mul3A_2, %add3A_230 : i32
    %dma_wait3A_232 = arith.constant 0 : i32
    %dma_wait3A_233 = tpu.memref_slice %arg4[%add3A_231, %dma_wait3A_232] : memref<12288x1024xf32, #tpu.memory_space<hbm>> -> memref<24x1024xf32, #tpu.memory_space<hbm>>
    %dma_wait3A_234 = arith.constant 0 : i32
    %dma_wait3A_235 = tpu.memref_slice %arg4[%add3A_231, %dma_wait3A_234] : memref<12288x1024xf32, #tpu.memory_space<hbm>> -> memref<24x1024xf32, #tpu.memory_space<hbm>>
    tpu.wait_dma2 semaphore(%arg15 : memref<!tpu.dma_semaphore, #tpu.memory_space<semaphore_mem>>) src(%arg7 : memref<24x1024xf32, #tpu.memory_space<vmem>>) dst(%dma_wait3A_235 : memref<24x1024xf32, #tpu.memory_space<hbm>>)
    %dma_start3A_236 = arith.constant 312 : i32
    %dma_start3A_237 = tpu.memref_slice %arg5[%dma_start3A_236] : memref<384xi32, #tpu.memory_space<vmem>> -> memref<24xi32, #tpu.memory_space<vmem>>
    %dma_start3A_238 = arith.constant 0 : i32
    %dma_start3A_239 = arith.constant 0 : i32
    %dma_start3A_240 = tpu.memref_slice %arg2[%dma_start3A_238, %dma_start3A_239] : memref<49152x1024xf32, #tpu.memory_space<hbm>> -> memref<49152x1024xf32, #tpu.memory_space<hbm>>
    tpu.enqueue_indirect_dma source(%dma_start3A_240 : memref<49152x1024xf32, #tpu.memory_space<hbm>>) target(%arg7 : memref<24x1024xf32, #tpu.memory_space<vmem>>) offsets(%dma_start3A_237 : memref<24xi32, #tpu.memory_space<vmem>>) semaphore(%arg11 : memref<!tpu.dma_semaphore, #tpu.memory_space<semaphore_mem>>)
    %dma_wait3A_241 = arith.constant 240 : i32
    %dma_wait3A_242 = tpu.memref_slice %arg5[%dma_wait3A_241] : memref<384xi32, #tpu.memory_space<vmem>> -> memref<24xi32, #tpu.memory_space<vmem>>
    %dma_wait3A_243 = arith.constant 0 : i32
    %dma_wait3A_244 = arith.constant 0 : i32
    %dma_wait3A_245 = tpu.memref_slice %arg2[%dma_wait3A_243, %dma_wait3A_244] : memref<49152x1024xf32, #tpu.memory_space<hbm>> -> memref<49152x1024xf32, #tpu.memory_space<hbm>>
    tpu.wait_indirect_dma semaphore(%arg12 : memref<!tpu.dma_semaphore, #tpu.memory_space<semaphore_mem>>) src(%dma_wait3A_245 : memref<49152x1024xf32, #tpu.memory_space<hbm>>) dst(%arg8 : memref<24x1024xf32, #tpu.memory_space<vmem>>)
    %add3A_246 = arith.constant 240 : i32
    %add3A_247 = arith.addi %mul3A_2, %add3A_246 : i32
    %dma_start3A_248 = arith.constant 0 : i32
    %dma_start3A_249 = tpu.memref_slice %arg4[%add3A_247, %dma_start3A_248] : memref<12288x1024xf32, #tpu.memory_space<hbm>> -> memref<24x1024xf32, #tpu.memory_space<hbm>>
    %dma_start3A_250 = arith.constant 0 : i32
    %dma_start3A_251 = tpu.memref_slice %arg4[%add3A_247, %dma_start3A_250] : memref<12288x1024xf32, #tpu.memory_space<hbm>> -> memref<24x1024xf32, #tpu.memory_space<hbm>>
    tpu.enqueue_dma source(%arg8 : memref<24x1024xf32, #tpu.memory_space<vmem>>) target(%dma_start3A_251 : memref<24x1024xf32, #tpu.memory_space<hbm>>) target_semaphore(%arg16 : memref<!tpu.dma_semaphore, #tpu.memory_space<semaphore_mem>>)
    %add3A_252 = arith.constant 240 : i32
    %add3A_253 = arith.addi %mul3A_2, %add3A_252 : i32
    %dma_wait3A_254 = arith.constant 0 : i32
    %dma_wait3A_255 = tpu.memref_slice %arg4[%add3A_253, %dma_wait3A_254] : memref<12288x1024xf32, #tpu.memory_space<hbm>> -> memref<24x1024xf32, #tpu.memory_space<hbm>>
    %dma_wait3A_256 = arith.constant 0 : i32
    %dma_wait3A_257 = tpu.memref_slice %arg4[%add3A_253, %dma_wait3A_256] : memref<12288x1024xf32, #tpu.memory_space<hbm>> -> memref<24x1024xf32, #tpu.memory_space<hbm>>
    tpu.wait_dma2 semaphore(%arg16 : memref<!tpu.dma_semaphore, #tpu.memory_space<semaphore_mem>>) src(%arg8 : memref<24x1024xf32, #tpu.memory_space<vmem>>) dst(%dma_wait3A_257 : memref<24x1024xf32, #tpu.memory_space<hbm>>)
    %dma_start3A_258 = arith.constant 336 : i32
    %dma_start3A_259 = tpu.memref_slice %arg5[%dma_start3A_258] : memref<384xi32, #tpu.memory_space<vmem>> -> memref<24xi32, #tpu.memory_space<vmem>>
    %dma_start3A_260 = arith.constant 0 : i32
    %dma_start3A_261 = arith.constant 0 : i32
    %dma_start3A_262 = tpu.memref_slice %arg2[%dma_start3A_260, %dma_start3A_261] : memref<49152x1024xf32, #tpu.memory_space<hbm>> -> memref<49152x1024xf32, #tpu.memory_space<hbm>>
    tpu.enqueue_indirect_dma source(%dma_start3A_262 : memref<49152x1024xf32, #tpu.memory_space<hbm>>) target(%arg8 : memref<24x1024xf32, #tpu.memory_space<vmem>>) offsets(%dma_start3A_259 : memref<24xi32, #tpu.memory_space<vmem>>) semaphore(%arg12 : memref<!tpu.dma_semaphore, #tpu.memory_space<semaphore_mem>>)
    %dma_wait3A_263 = arith.constant 264 : i32
    %dma_wait3A_264 = tpu.memref_slice %arg5[%dma_wait3A_263] : memref<384xi32, #tpu.memory_space<vmem>> -> memref<24xi32, #tpu.memory_space<vmem>>
    %dma_wait3A_265 = arith.constant 0 : i32
    %dma_wait3A_266 = arith.constant 0 : i32
    %dma_wait3A_267 = tpu.memref_slice %arg2[%dma_wait3A_265, %dma_wait3A_266] : memref<49152x1024xf32, #tpu.memory_space<hbm>> -> memref<49152x1024xf32, #tpu.memory_space<hbm>>
    tpu.wait_indirect_dma semaphore(%arg13 : memref<!tpu.dma_semaphore, #tpu.memory_space<semaphore_mem>>) src(%dma_wait3A_267 : memref<49152x1024xf32, #tpu.memory_space<hbm>>) dst(%arg9 : memref<24x1024xf32, #tpu.memory_space<vmem>>)
    %add3A_268 = arith.constant 264 : i32
    %add3A_269 = arith.addi %mul3A_2, %add3A_268 : i32
    %dma_start3A_270 = arith.constant 0 : i32
    %dma_start3A_271 = tpu.memref_slice %arg4[%add3A_269, %dma_start3A_270] : memref<12288x1024xf32, #tpu.memory_space<hbm>> -> memref<24x1024xf32, #tpu.memory_space<hbm>>
    %dma_start3A_272 = arith.constant 0 : i32
    %dma_start3A_273 = tpu.memref_slice %arg4[%add3A_269, %dma_start3A_272] : memref<12288x1024xf32, #tpu.memory_space<hbm>> -> memref<24x1024xf32, #tpu.memory_space<hbm>>
    tpu.enqueue_dma source(%arg9 : memref<24x1024xf32, #tpu.memory_space<vmem>>) target(%dma_start3A_273 : memref<24x1024xf32, #tpu.memory_space<hbm>>) target_semaphore(%arg17 : memref<!tpu.dma_semaphore, #tpu.memory_space<semaphore_mem>>)
    %add3A_274 = arith.constant 264 : i32
    %add3A_275 = arith.addi %mul3A_2, %add3A_274 : i32
    %dma_wait3A_276 = arith.constant 0 : i32
    %dma_wait3A_277 = tpu.memref_slice %arg4[%add3A_275, %dma_wait3A_276] : memref<12288x1024xf32, #tpu.memory_space<hbm>> -> memref<24x1024xf32, #tpu.memory_space<hbm>>
    %dma_wait3A_278 = arith.constant 0 : i32
    %dma_wait3A_279 = tpu.memref_slice %arg4[%add3A_275, %dma_wait3A_278] : memref<12288x1024xf32, #tpu.memory_space<hbm>> -> memref<24x1024xf32, #tpu.memory_space<hbm>>
    tpu.wait_dma2 semaphore(%arg17 : memref<!tpu.dma_semaphore, #tpu.memory_space<semaphore_mem>>) src(%arg9 : memref<24x1024xf32, #tpu.memory_space<vmem>>) dst(%dma_wait3A_279 : memref<24x1024xf32, #tpu.memory_space<hbm>>)
    %dma_start3A_280 = arith.constant 360 : i32
    %dma_start3A_281 = tpu.memref_slice %arg5[%dma_start3A_280] : memref<384xi32, #tpu.memory_space<vmem>> -> memref<24xi32, #tpu.memory_space<vmem>>
    %dma_start3A_282 = arith.constant 0 : i32
    %dma_start3A_283 = arith.constant 0 : i32
    %dma_start3A_284 = tpu.memref_slice %arg2[%dma_start3A_282, %dma_start3A_283] : memref<49152x1024xf32, #tpu.memory_space<hbm>> -> memref<49152x1024xf32, #tpu.memory_space<hbm>>
    tpu.enqueue_indirect_dma source(%dma_start3A_284 : memref<49152x1024xf32, #tpu.memory_space<hbm>>) target(%arg9 : memref<24x1024xf32, #tpu.memory_space<vmem>>) offsets(%dma_start3A_281 : memref<24xi32, #tpu.memory_space<vmem>>) semaphore(%arg13 : memref<!tpu.dma_semaphore, #tpu.memory_space<semaphore_mem>>)
    %dma_wait3A_285 = arith.constant 288 : i32
    %dma_wait3A_286 = tpu.memref_slice %arg5[%dma_wait3A_285] : memref<384xi32, #tpu.memory_space<vmem>> -> memref<24xi32, #tpu.memory_space<vmem>>
    %dma_wait3A_287 = arith.constant 0 : i32
    %dma_wait3A_288 = arith.constant 0 : i32
    %dma_wait3A_289 = tpu.memref_slice %arg2[%dma_wait3A_287, %dma_wait3A_288] : memref<49152x1024xf32, #tpu.memory_space<hbm>> -> memref<49152x1024xf32, #tpu.memory_space<hbm>>
    tpu.wait_indirect_dma semaphore(%arg10 : memref<!tpu.dma_semaphore, #tpu.memory_space<semaphore_mem>>) src(%dma_wait3A_289 : memref<49152x1024xf32, #tpu.memory_space<hbm>>) dst(%arg6 : memref<24x1024xf32, #tpu.memory_space<vmem>>)
    %add3A_290 = arith.constant 288 : i32
    %add3A_291 = arith.addi %mul3A_2, %add3A_290 : i32
    %dma_start3A_292 = arith.constant 0 : i32
    %dma_start3A_293 = tpu.memref_slice %arg4[%add3A_291, %dma_start3A_292] : memref<12288x1024xf32, #tpu.memory_space<hbm>> -> memref<24x1024xf32, #tpu.memory_space<hbm>>
    %dma_start3A_294 = arith.constant 0 : i32
    %dma_start3A_295 = tpu.memref_slice %arg4[%add3A_291, %dma_start3A_294] : memref<12288x1024xf32, #tpu.memory_space<hbm>> -> memref<24x1024xf32, #tpu.memory_space<hbm>>
    tpu.enqueue_dma source(%arg6 : memref<24x1024xf32, #tpu.memory_space<vmem>>) target(%dma_start3A_295 : memref<24x1024xf32, #tpu.memory_space<hbm>>) target_semaphore(%arg14 : memref<!tpu.dma_semaphore, #tpu.memory_space<semaphore_mem>>)
    %dma_wait3A_296 = arith.constant 312 : i32
    %dma_wait3A_297 = tpu.memref_slice %arg5[%dma_wait3A_296] : memref<384xi32, #tpu.memory_space<vmem>> -> memref<24xi32, #tpu.memory_space<vmem>>
    %dma_wait3A_298 = arith.constant 0 : i32
    %dma_wait3A_299 = arith.constant 0 : i32
    %dma_wait3A_300 = tpu.memref_slice %arg2[%dma_wait3A_298, %dma_wait3A_299] : memref<49152x1024xf32, #tpu.memory_space<hbm>> -> memref<49152x1024xf32, #tpu.memory_space<hbm>>
    tpu.wait_indirect_dma semaphore(%arg11 : memref<!tpu.dma_semaphore, #tpu.memory_space<semaphore_mem>>) src(%dma_wait3A_300 : memref<49152x1024xf32, #tpu.memory_space<hbm>>) dst(%arg7 : memref<24x1024xf32, #tpu.memory_space<vmem>>)
    %add3A_301 = arith.constant 312 : i32
    %add3A_302 = arith.addi %mul3A_2, %add3A_301 : i32
    %dma_start3A_303 = arith.constant 0 : i32
    %dma_start3A_304 = tpu.memref_slice %arg4[%add3A_302, %dma_start3A_303] : memref<12288x1024xf32, #tpu.memory_space<hbm>> -> memref<24x1024xf32, #tpu.memory_space<hbm>>
    %dma_start3A_305 = arith.constant 0 : i32
    %dma_start3A_306 = tpu.memref_slice %arg4[%add3A_302, %dma_start3A_305] : memref<12288x1024xf32, #tpu.memory_space<hbm>> -> memref<24x1024xf32, #tpu.memory_space<hbm>>
    tpu.enqueue_dma source(%arg7 : memref<24x1024xf32, #tpu.memory_space<vmem>>) target(%dma_start3A_306 : memref<24x1024xf32, #tpu.memory_space<hbm>>) target_semaphore(%arg15 : memref<!tpu.dma_semaphore, #tpu.memory_space<semaphore_mem>>)
    %dma_wait3A_307 = arith.constant 336 : i32
    %dma_wait3A_308 = tpu.memref_slice %arg5[%dma_wait3A_307] : memref<384xi32, #tpu.memory_space<vmem>> -> memref<24xi32, #tpu.memory_space<vmem>>
    %dma_wait3A_309 = arith.constant 0 : i32
    %dma_wait3A_310 = arith.constant 0 : i32
    %dma_wait3A_311 = tpu.memref_slice %arg2[%dma_wait3A_309, %dma_wait3A_310] : memref<49152x1024xf32, #tpu.memory_space<hbm>> -> memref<49152x1024xf32, #tpu.memory_space<hbm>>
    tpu.wait_indirect_dma semaphore(%arg12 : memref<!tpu.dma_semaphore, #tpu.memory_space<semaphore_mem>>) src(%dma_wait3A_311 : memref<49152x1024xf32, #tpu.memory_space<hbm>>) dst(%arg8 : memref<24x1024xf32, #tpu.memory_space<vmem>>)
    %add3A_312 = arith.constant 336 : i32
    %add3A_313 = arith.addi %mul3A_2, %add3A_312 : i32
    %dma_start3A_314 = arith.constant 0 : i32
    %dma_start3A_315 = tpu.memref_slice %arg4[%add3A_313, %dma_start3A_314] : memref<12288x1024xf32, #tpu.memory_space<hbm>> -> memref<24x1024xf32, #tpu.memory_space<hbm>>
    %dma_start3A_316 = arith.constant 0 : i32
    %dma_start3A_317 = tpu.memref_slice %arg4[%add3A_313, %dma_start3A_316] : memref<12288x1024xf32, #tpu.memory_space<hbm>> -> memref<24x1024xf32, #tpu.memory_space<hbm>>
    tpu.enqueue_dma source(%arg8 : memref<24x1024xf32, #tpu.memory_space<vmem>>) target(%dma_start3A_317 : memref<24x1024xf32, #tpu.memory_space<hbm>>) target_semaphore(%arg16 : memref<!tpu.dma_semaphore, #tpu.memory_space<semaphore_mem>>)
    %dma_wait3A_318 = arith.constant 360 : i32
    %dma_wait3A_319 = tpu.memref_slice %arg5[%dma_wait3A_318] : memref<384xi32, #tpu.memory_space<vmem>> -> memref<24xi32, #tpu.memory_space<vmem>>
    %dma_wait3A_320 = arith.constant 0 : i32
    %dma_wait3A_321 = arith.constant 0 : i32
    %dma_wait3A_322 = tpu.memref_slice %arg2[%dma_wait3A_320, %dma_wait3A_321] : memref<49152x1024xf32, #tpu.memory_space<hbm>> -> memref<49152x1024xf32, #tpu.memory_space<hbm>>
    tpu.wait_indirect_dma semaphore(%arg13 : memref<!tpu.dma_semaphore, #tpu.memory_space<semaphore_mem>>) src(%dma_wait3A_322 : memref<49152x1024xf32, #tpu.memory_space<hbm>>) dst(%arg9 : memref<24x1024xf32, #tpu.memory_space<vmem>>)
    %add3A_323 = arith.constant 360 : i32
    %add3A_324 = arith.addi %mul3A_2, %add3A_323 : i32
    %dma_start3A_325 = arith.constant 0 : i32
    %dma_start3A_326 = tpu.memref_slice %arg4[%add3A_324, %dma_start3A_325] : memref<12288x1024xf32, #tpu.memory_space<hbm>> -> memref<24x1024xf32, #tpu.memory_space<hbm>>
    %dma_start3A_327 = arith.constant 0 : i32
    %dma_start3A_328 = tpu.memref_slice %arg4[%add3A_324, %dma_start3A_327] : memref<12288x1024xf32, #tpu.memory_space<hbm>> -> memref<24x1024xf32, #tpu.memory_space<hbm>>
    tpu.enqueue_dma source(%arg9 : memref<24x1024xf32, #tpu.memory_space<vmem>>) target(%dma_start3A_328 : memref<24x1024xf32, #tpu.memory_space<hbm>>) target_semaphore(%arg17 : memref<!tpu.dma_semaphore, #tpu.memory_space<semaphore_mem>>)
    %add3A_329 = arith.constant 288 : i32
    %add3A_330 = arith.addi %mul3A_2, %add3A_329 : i32
    %dma_wait3A_331 = arith.constant 0 : i32
    %dma_wait3A_332 = tpu.memref_slice %arg4[%add3A_330, %dma_wait3A_331] : memref<12288x1024xf32, #tpu.memory_space<hbm>> -> memref<24x1024xf32, #tpu.memory_space<hbm>>
    %dma_wait3A_333 = arith.constant 0 : i32
    %dma_wait3A_334 = tpu.memref_slice %arg4[%add3A_330, %dma_wait3A_333] : memref<12288x1024xf32, #tpu.memory_space<hbm>> -> memref<24x1024xf32, #tpu.memory_space<hbm>>
    tpu.wait_dma2 semaphore(%arg14 : memref<!tpu.dma_semaphore, #tpu.memory_space<semaphore_mem>>) src(%arg6 : memref<24x1024xf32, #tpu.memory_space<vmem>>) dst(%dma_wait3A_334 : memref<24x1024xf32, #tpu.memory_space<hbm>>)
    %add3A_335 = arith.constant 312 : i32
    %add3A_336 = arith.addi %mul3A_2, %add3A_335 : i32
    %dma_wait3A_337 = arith.constant 0 : i32
    %dma_wait3A_338 = tpu.memref_slice %arg4[%add3A_336, %dma_wait3A_337] : memref<12288x1024xf32, #tpu.memory_space<hbm>> -> memref<24x1024xf32, #tpu.memory_space<hbm>>
    %dma_wait3A_339 = arith.constant 0 : i32
    %dma_wait3A_340 = tpu.memref_slice %arg4[%add3A_336, %dma_wait3A_339] : memref<12288x1024xf32, #tpu.memory_space<hbm>> -> memref<24x1024xf32, #tpu.memory_space<hbm>>
    tpu.wait_dma2 semaphore(%arg15 : memref<!tpu.dma_semaphore, #tpu.memory_space<semaphore_mem>>) src(%arg7 : memref<24x1024xf32, #tpu.memory_space<vmem>>) dst(%dma_wait3A_340 : memref<24x1024xf32, #tpu.memory_space<hbm>>)
    %add3A_341 = arith.constant 336 : i32
    %add3A_342 = arith.addi %mul3A_2, %add3A_341 : i32
    %dma_wait3A_343 = arith.constant 0 : i32
    %dma_wait3A_344 = tpu.memref_slice %arg4[%add3A_342, %dma_wait3A_343] : memref<12288x1024xf32, #tpu.memory_space<hbm>> -> memref<24x1024xf32, #tpu.memory_space<hbm>>
    %dma_wait3A_345 = arith.constant 0 : i32
    %dma_wait3A_346 = tpu.memref_slice %arg4[%add3A_342, %dma_wait3A_345] : memref<12288x1024xf32, #tpu.memory_space<hbm>> -> memref<24x1024xf32, #tpu.memory_space<hbm>>
    tpu.wait_dma2 semaphore(%arg16 : memref<!tpu.dma_semaphore, #tpu.memory_space<semaphore_mem>>) src(%arg8 : memref<24x1024xf32, #tpu.memory_space<vmem>>) dst(%dma_wait3A_346 : memref<24x1024xf32, #tpu.memory_space<hbm>>)
    %add3A_347 = arith.constant 360 : i32
    %add3A_348 = arith.addi %mul3A_2, %add3A_347 : i32
    %dma_wait3A_349 = arith.constant 0 : i32
    %dma_wait3A_350 = tpu.memref_slice %arg4[%add3A_348, %dma_wait3A_349] : memref<12288x1024xf32, #tpu.memory_space<hbm>> -> memref<24x1024xf32, #tpu.memory_space<hbm>>
    %dma_wait3A_351 = arith.constant 0 : i32
    %dma_wait3A_352 = tpu.memref_slice %arg4[%add3A_348, %dma_wait3A_351] : memref<12288x1024xf32, #tpu.memory_space<hbm>> -> memref<24x1024xf32, #tpu.memory_space<hbm>>
    tpu.wait_dma2 semaphore(%arg17 : memref<!tpu.dma_semaphore, #tpu.memory_space<semaphore_mem>>) src(%arg9 : memref<24x1024xf32, #tpu.memory_space<vmem>>) dst(%dma_wait3A_352 : memref<24x1024xf32, #tpu.memory_space<hbm>>)
    return
  }
}

module attributes {stable_mosaic.version = 14 : i64} {
  func.func @_router_body(%arg0: memref<2048x1024xf32, #tpu.memory_space<vmem>>, %arg1: memref<1024x1024xf32, #tpu.memory_space<vmem>>, %arg2: memref<1024x128xf32, #tpu.memory_space<vmem>>, %arg3: memref<8x1024xf32, #tpu.memory_space<vmem>>, %arg4: memref<128x128xf32, #tpu.memory_space<vmem>>, %arg5: memref<128x128xf32, #tpu.memory_space<vmem>>, %arg6: memref<128x128xf32, #tpu.memory_space<vmem>>, %arg7: memref<2048x128xf32, #tpu.memory_space<vmem>>, %arg8: memref<2048x128xf32, #tpu.memory_space<vmem>>) attributes {dimension_semantics = [], scalar_prefetch = 0 : i64, scratch_operands = 2 : i64, tpu.core_type = #tpu.core_type<tc>} {
    %get3A = arith.constant 0 : index
    %get3A_0 = arith.constant 0 : index
    %get3A_1 = vector.load %arg0[%get3A, %get3A_0] : memref<2048x1024xf32, #tpu.memory_space<vmem>>, vector<2048x1024xf32>
    %get3A_2 = arith.constant 0 : index
    %get3A_3 = arith.constant 0 : index
    %get3A_4 = vector.load %arg1[%get3A_2, %get3A_3] : memref<1024x1024xf32, #tpu.memory_space<vmem>>, vector<1024x1024xf32>
    %dot_general3A = arith.constant dense<0.000000e+00> : vector<2048x1024xf32>
    %dot_general3A_5 = tpu.matmul %get3A_1, %get3A_4, %dot_general3A {dimension_numbers = #tpu.dot_dimension_numbers<[1], [0], [0], [1], [0, 0, 1, 1], [], []>, transpose_lhs_hint = false} : vector<2048x1024xf32>, vector<1024x1024xf32>, vector<2048x1024xf32> -> vector<2048x1024xf32>
    %get3A_6 = arith.constant 0 : index
    %get3A_7 = arith.constant 0 : index
    %get3A_8 = vector.load %arg3[%get3A_6, %get3A_7] : memref<8x1024xf32, #tpu.memory_space<vmem>>, vector<1x1024xf32>
    %add3A = vector.broadcast %get3A_8 : vector<1x1024xf32> to vector<2048x1024xf32>
    %add3A_9 = arith.addf %dot_general3A_5, %add3A : vector<2048x1024xf32>
    %get3A_10 = arith.constant 0 : index
    %get3A_11 = arith.constant 0 : index
    %get3A_12 = vector.load %arg2[%get3A_10, %get3A_11] : memref<1024x128xf32, #tpu.memory_space<vmem>>, vector<1024x128xf32>
    %dot_general3A_13 = arith.constant dense<0.000000e+00> : vector<2048x128xf32>
    %dot_general3A_14 = tpu.matmul %add3A_9, %get3A_12, %dot_general3A_13 {dimension_numbers = #tpu.dot_dimension_numbers<[1], [0], [0], [1], [0, 0, 1, 1], [], []>, transpose_lhs_hint = false} : vector<2048x1024xf32>, vector<1024x128xf32>, vector<2048x128xf32> -> vector<2048x128xf32>
    %iota3A = tpu.iota {dimensions = array<i32: 1>} : vector<2048x128xi32>
    %lt3A = arith.constant 96 : i32
    %lt3A_15 = vector.broadcast %lt3A : i32 to vector<2048x128xi32>
    %lt3A_16 = arith.cmpi slt, %iota3A, %lt3A_15 : vector<2048x128xi32>
    %jit3A = arith.constant -1.000000e+30 : f32
    %broadcast_in_dim3A = vector.broadcast %jit3A : f32 to vector<2048x128xf32>
    %select_n3A = arith.select %lt3A_16, %dot_general3A_14, %broadcast_in_dim3A : vector<2048x128xi1>, vector<2048x128xf32>
    %reduce_max3A = arith.constant dense<0xFF800000> : vector<2048xf32>
    %reduce_max3A_17 = vector.multi_reduction <maximumf>, %select_n3A, %reduce_max3A [1] : vector<2048x128xf32> to vector<2048xf32>
    %broadcast_in_dim3A_18 = vector.shape_cast %reduce_max3A_17 : vector<2048xf32> to vector<2048x1xf32>
    %eq3A = vector.broadcast %broadcast_in_dim3A_18 : vector<2048x1xf32> to vector<2048x128xf32>
    %eq3A_19 = arith.cmpf oeq, %select_n3A, %eq3A : vector<2048x128xf32>
    %jit3A_20 = arith.constant 128 : i32
    %broadcast_in_dim3A_21 = vector.broadcast %jit3A_20 : i32 to vector<2048x128xi32>
    %select_n3A_22 = arith.select %eq3A_19, %iota3A, %broadcast_in_dim3A_21 : vector<2048x128xi1>, vector<2048x128xi32>
    %reduce_min3A = arith.constant dense<2147483647> : vector<2048xi32>
    %reduce_min3A_23 = vector.multi_reduction <minsi>, %select_n3A_22, %reduce_min3A [1] : vector<2048x128xi32> to vector<2048xi32>
    %broadcast_in_dim3A_24 = vector.shape_cast %reduce_min3A_23 : vector<2048xi32> to vector<2048x1xi32>
    %eq3A_25 = vector.broadcast %broadcast_in_dim3A_24 : vector<2048x1xi32> to vector<2048x128xi32>
    %eq3A_26 = arith.cmpi eq, %iota3A, %eq3A_25 : vector<2048x128xi32>
    %jit3A_27 = arith.constant -1.000000e+30 : f32
    %broadcast_in_dim3A_28 = vector.broadcast %jit3A_27 : f32 to vector<2048x128xf32>
    %select_n3A_29 = arith.select %eq3A_26, %broadcast_in_dim3A_28, %select_n3A : vector<2048x128xi1>, vector<2048x128xf32>
    %reduce_max3A_30 = arith.constant dense<0xFF800000> : vector<2048xf32>
    %reduce_max3A_31 = vector.multi_reduction <maximumf>, %select_n3A_29, %reduce_max3A_30 [1] : vector<2048x128xf32> to vector<2048xf32>
    %broadcast_in_dim3A_32 = vector.shape_cast %reduce_max3A_31 : vector<2048xf32> to vector<2048x1xf32>
    %eq3A_33 = vector.broadcast %broadcast_in_dim3A_32 : vector<2048x1xf32> to vector<2048x128xf32>
    %eq3A_34 = arith.cmpf oeq, %select_n3A_29, %eq3A_33 : vector<2048x128xf32>
    %jit3A_35 = arith.constant 128 : i32
    %broadcast_in_dim3A_36 = vector.broadcast %jit3A_35 : i32 to vector<2048x128xi32>
    %select_n3A_37 = arith.select %eq3A_34, %iota3A, %broadcast_in_dim3A_36 : vector<2048x128xi1>, vector<2048x128xi32>
    %reduce_min3A_38 = arith.constant dense<2147483647> : vector<2048xi32>
    %reduce_min3A_39 = vector.multi_reduction <minsi>, %select_n3A_37, %reduce_min3A_38 [1] : vector<2048x128xi32> to vector<2048xi32>
    %broadcast_in_dim3A_40 = vector.shape_cast %reduce_min3A_39 : vector<2048xi32> to vector<2048x1xi32>
    %sub3A = arith.subf %broadcast_in_dim3A_32, %broadcast_in_dim3A_18 : vector<2048x1xf32>
    %exp3A = math.exp %sub3A : vector<2048x1xf32>
    %add3A_41 = arith.constant 1.000000e+00 : f32
    %add3A_42 = vector.broadcast %add3A_41 : f32 to vector<2048x1xf32>
    %add3A_43 = arith.addf %add3A_42, %exp3A : vector<2048x1xf32>
    %div3A = arith.constant 1.000000e+00 : f32
    %div3A_44 = vector.broadcast %div3A : f32 to vector<2048x1xf32>
    %div3A_45 = arith.divf %div3A_44, %add3A_43 : vector<2048x1xf32>
    %sub3A_46 = arith.constant 1.000000e+00 : f32
    %sub3A_47 = vector.broadcast %sub3A_46 : f32 to vector<2048x1xf32>
    %sub3A_48 = arith.subf %sub3A_47, %div3A_45 : vector<2048x1xf32>
    %eq3A_49 = vector.broadcast %broadcast_in_dim3A_24 : vector<2048x1xi32> to vector<2048x128xi32>
    %eq3A_50 = arith.cmpi eq, %iota3A, %eq3A_49 : vector<2048x128xi32>
    %convert_element_type3A = arith.extui %eq3A_50 : vector<2048x128xi1> to vector<2048x128xi32>
    %convert_element_type3A_51 = arith.sitofp %convert_element_type3A : vector<2048x128xi32> to vector<2048x128xf32>
    %eq3A_52 = vector.broadcast %broadcast_in_dim3A_40 : vector<2048x1xi32> to vector<2048x128xi32>
    %eq3A_53 = arith.cmpi eq, %iota3A, %eq3A_52 : vector<2048x128xi32>
    %convert_element_type3A_54 = arith.extui %eq3A_53 : vector<2048x128xi1> to vector<2048x128xi32>
    %convert_element_type3A_55 = arith.sitofp %convert_element_type3A_54 : vector<2048x128xi32> to vector<2048x128xf32>
    %add3A_56 = arith.addf %convert_element_type3A_51, %convert_element_type3A_55 : vector<2048x128xf32>
    %iota3A_57 = tpu.iota {dimensions = array<i32: 0>} : vector<256x256xi32>
    %iota3A_58 = tpu.iota {dimensions = array<i32: 1>} : vector<256x256xi32>
    %gt3A = arith.cmpi sgt, %iota3A_57, %iota3A_58 : vector<256x256xi32>
    %convert_element_type3A_59 = arith.extui %gt3A : vector<256x256xi1> to vector<256x256xi32>
    %convert_element_type3A_60 = arith.sitofp %convert_element_type3A_59 : vector<256x256xi32> to vector<256x256xf32>
    %swap3A = arith.constant 0 : index
    %swap3A_61 = arith.constant 0 : index
    %swap3A_62 = vector.load %arg7[%swap3A, %swap3A_61] : memref<2048x128xf32, #tpu.memory_space<vmem>>, vector<2048x128xf32>
    tpu.vector_store %arg7[%swap3A, %swap3A_61], %add3A_56 {strides = array<i32>} : memref<2048x128xf32, #tpu.memory_space<vmem>>, vector<2048x128xf32>,
    %broadcast_in_dim3A_63 = arith.constant 0.000000e+00 : f32
    %broadcast_in_dim3A_64 = vector.broadcast %broadcast_in_dim3A_63 : f32 to vector<1x128xf32>
    %scan3A = arith.constant 0 : i32
    %scan3A_65 = arith.constant 8 : i32
    %scan3A_66 = arith.addi %scan3A, %scan3A_65 : i32
    %scan3A_67 = arith.constant 1 : i32
    %scan3A_68 = scf.for %scan3A_163 = %scan3A to %scan3A_66 step %scan3A_67 iter_args(%scan3A_164 = %broadcast_in_dim3A_64) -> (vector<1x128xf32>)  : i32 {
      %mul3A_165 = arith.constant 256 : i32
      %mul3A_166 = arith.muli %scan3A_163, %mul3A_165 : i32
      %get3A_167 = arith.index_cast %mul3A_166 : i32 to index
      %get3A_168 = arith.constant 0 : index
      %get3A_169 = vector.load %arg7[%get3A_167, %get3A_168] : memref<2048x128xf32, #tpu.memory_space<vmem>>, vector<256x128xf32>
      %dot_general3A_170 = arith.constant dense<0.000000e+00> : vector<256x128xf32>
      %dot_general3A_171 = tpu.matmul %convert_element_type3A_60, %get3A_169, %dot_general3A_170 {dimension_numbers = #tpu.dot_dimension_numbers<[1], [0], [0], [1], [0, 0, 1, 1], [], []>, transpose_lhs_hint = false} : vector<256x256xf32>, vector<256x128xf32>, vector<256x128xf32> -> vector<256x128xf32>
      %add3A_172 = vector.broadcast %scan3A_164 : vector<1x128xf32> to vector<256x128xf32>
      %add3A_173 = arith.addf %dot_general3A_171, %add3A_172 : vector<256x128xf32>
      %mul3A_174 = arith.constant 256 : i32
      %mul3A_175 = arith.muli %scan3A_163, %mul3A_174 : i32
      %swap3A_176 = arith.index_cast %mul3A_175 : i32 to index
      %swap3A_177 = arith.constant 0 : index
      %swap3A_178 = vector.load %arg8[%swap3A_176, %swap3A_177] : memref<2048x128xf32, #tpu.memory_space<vmem>>, vector<256x128xf32>
      tpu.vector_store %arg8[%swap3A_176, %swap3A_177], %add3A_173 {strides = array<i32>} : memref<2048x128xf32, #tpu.memory_space<vmem>>, vector<256x128xf32>,
      %reduce_sum3A_179 = arith.constant dense<0.000000e+00> : vector<128xf32>
      %reduce_sum3A_180 = vector.multi_reduction <add>, %get3A_169, %reduce_sum3A_179 [0] : vector<256x128xf32> to vector<128xf32>
      %broadcast_in_dim3A_181 = vector.shape_cast %reduce_sum3A_180 : vector<128xf32> to vector<1x128xf32>
      %add3A_182 = arith.addf %scan3A_164, %broadcast_in_dim3A_181 : vector<1x128xf32>
      scf.yield %add3A_182 : vector<1x128xf32>
    }
    %scan3A_69 = arith.constant 8 : i32
    %get3A_70 = arith.constant 0 : index
    %get3A_71 = arith.constant 0 : index
    %get3A_72 = vector.load %arg8[%get3A_70, %get3A_71] : memref<2048x128xf32, #tpu.memory_space<vmem>>, vector<2048x128xf32>
    %mul3A = arith.mulf %get3A_72, %convert_element_type3A_51 : vector<2048x128xf32>
    %reduce_sum3A = arith.constant dense<0.000000e+00> : vector<2048xf32>
    %reduce_sum3A_73 = vector.multi_reduction <add>, %mul3A, %reduce_sum3A [1] : vector<2048x128xf32> to vector<2048xf32>
    %broadcast_in_dim3A_74 = vector.shape_cast %reduce_sum3A_73 : vector<2048xf32> to vector<2048x1xf32>
    %mul3A_75 = arith.mulf %get3A_72, %convert_element_type3A_55 : vector<2048x128xf32>
    %reduce_sum3A_76 = arith.constant dense<0.000000e+00> : vector<2048xf32>
    %reduce_sum3A_77 = vector.multi_reduction <add>, %mul3A_75, %reduce_sum3A_76 [1] : vector<2048x128xf32> to vector<2048xf32>
    %broadcast_in_dim3A_78 = vector.shape_cast %reduce_sum3A_77 : vector<2048xf32> to vector<2048x1xf32>
    %lt3A_79 = arith.constant 1.280000e+02 : f32
    %lt3A_80 = vector.broadcast %lt3A_79 : f32 to vector<2048x1xf32>
    %lt3A_81 = arith.cmpf olt, %broadcast_in_dim3A_74, %lt3A_80 : vector<2048x1xf32>
    %lt3A_82 = arith.constant 1.280000e+02 : f32
    %lt3A_83 = vector.broadcast %lt3A_82 : f32 to vector<2048x1xf32>
    %lt3A_84 = arith.cmpf olt, %broadcast_in_dim3A_78, %lt3A_83 : vector<2048x1xf32>
    %iota3A_85 = tpu.iota {dimensions = array<i32: 1>} : vector<2048x128xi32>
    %convert_element_type3A_86 = arith.sitofp %iota3A_85 : vector<2048x128xi32> to vector<2048x128xf32>
    %eq3A_87 = vector.broadcast %broadcast_in_dim3A_74 : vector<2048x1xf32> to vector<2048x128xf32>
    %eq3A_88 = arith.cmpf oeq, %convert_element_type3A_86, %eq3A_87 : vector<2048x128xf32>
    %and3A = vector.broadcast %lt3A_81 : vector<2048x1xi1> to vector<2048x128xi1>
    %and3A_89 = arith.andi %eq3A_88, %and3A : vector<2048x128xi1>
    %jit3A_90 = arith.constant 1.000000e+00 : f32
    %jit3A_91 = arith.constant 0.000000e+00 : f32
    %broadcast_in_dim3A_92 = vector.broadcast %jit3A_90 : f32 to vector<2048x128xf32>
    %broadcast_in_dim3A_93 = vector.broadcast %jit3A_91 : f32 to vector<2048x128xf32>
    %select_n3A_94 = arith.select %and3A_89, %broadcast_in_dim3A_92, %broadcast_in_dim3A_93 : vector<2048x128xi1>, vector<2048x128xf32>
    %eq3A_95 = vector.broadcast %broadcast_in_dim3A_78 : vector<2048x1xf32> to vector<2048x128xf32>
    %eq3A_96 = arith.cmpf oeq, %convert_element_type3A_86, %eq3A_95 : vector<2048x128xf32>
    %and3A_97 = vector.broadcast %lt3A_84 : vector<2048x1xi1> to vector<2048x128xi1>
    %and3A_98 = arith.andi %eq3A_96, %and3A_97 : vector<2048x128xi1>
    %jit3A_99 = arith.constant 1.000000e+00 : f32
    %jit3A_100 = arith.constant 0.000000e+00 : f32
    %broadcast_in_dim3A_101 = vector.broadcast %jit3A_99 : f32 to vector<2048x128xf32>
    %broadcast_in_dim3A_102 = vector.broadcast %jit3A_100 : f32 to vector<2048x128xf32>
    %select_n3A_103 = arith.select %and3A_98, %broadcast_in_dim3A_101, %broadcast_in_dim3A_102 : vector<2048x128xi1>, vector<2048x128xf32>
    %iota3A_104 = tpu.iota {dimensions = array<i32: 0>} : vector<2048x1xi32>
    %convert_element_type3A_105 = arith.sitofp %iota3A_104 : vector<2048x1xi32> to vector<2048x1xf32>
    %mul3A_106 = arith.constant 3.906250e-03 : f32
    %mul3A_107 = vector.broadcast %mul3A_106 : f32 to vector<2048x1xf32>
    %mul3A_108 = arith.mulf %convert_element_type3A_105, %mul3A_107 : vector<2048x1xf32>
    %floor3A = math.floor %mul3A_108 : vector<2048x1xf32>
    %convert_element_type3A_109 = arith.sitofp %broadcast_in_dim3A_24 : vector<2048x1xi32> to vector<2048x1xf32>
    %mul3A_110 = arith.constant 2.500000e-01 : f32
    %mul3A_111 = vector.broadcast %mul3A_110 : f32 to vector<2048x1xf32>
    %mul3A_112 = arith.mulf %convert_element_type3A_109, %mul3A_111 : vector<2048x1xf32>
    %floor3A_113 = math.floor %mul3A_112 : vector<2048x1xf32>
    %mul3A_114 = arith.constant 2.048000e+03 : f32
    %mul3A_115 = vector.broadcast %mul3A_114 : f32 to vector<2048x1xf32>
    %mul3A_116 = arith.mulf %floor3A_113, %mul3A_115 : vector<2048x1xf32>
    %add3A_117 = arith.addf %mul3A_116, %convert_element_type3A_105 : vector<2048x1xf32>
    %convert_element_type3A_118 = arith.sitofp %broadcast_in_dim3A_40 : vector<2048x1xi32> to vector<2048x1xf32>
    %mul3A_119 = arith.constant 2.500000e-01 : f32
    %mul3A_120 = vector.broadcast %mul3A_119 : f32 to vector<2048x1xf32>
    %mul3A_121 = arith.mulf %convert_element_type3A_118, %mul3A_120 : vector<2048x1xf32>
    %floor3A_122 = math.floor %mul3A_121 : vector<2048x1xf32>
    %mul3A_123 = arith.constant 2.048000e+03 : f32
    %mul3A_124 = vector.broadcast %mul3A_123 : f32 to vector<2048x1xf32>
    %mul3A_125 = arith.mulf %floor3A_122, %mul3A_124 : vector<2048x1xf32>
    %add3A_126 = arith.addf %mul3A_125, %convert_element_type3A_105 : vector<2048x1xf32>
    %mul3A_127 = vector.broadcast %add3A_117 : vector<2048x1xf32> to vector<2048x128xf32>
    %mul3A_128 = arith.mulf %select_n3A_94, %mul3A_127 : vector<2048x128xf32>
    %dot_general3A_129 = arith.constant dense<0.000000e+00> : vector<128x128xf32>
    %dot_general3A_130 = tpu.matmul %convert_element_type3A_51, %mul3A_128, %dot_general3A_129 {dimension_numbers = #tpu.dot_dimension_numbers<[0], [0], [1], [1], [0, 1, 1, 1], [], []>, precision = #tpu.contract_precision<fp32>, transpose_lhs_hint = false} : vector<2048x128xf32>, vector<2048x128xf32>, vector<128x128xf32> -> vector<128x128xf32>
    %mul3A_131 = vector.broadcast %add3A_126 : vector<2048x1xf32> to vector<2048x128xf32>
    %mul3A_132 = arith.mulf %select_n3A_103, %mul3A_131 : vector<2048x128xf32>
    %dot_general3A_133 = arith.constant dense<0.000000e+00> : vector<128x128xf32>
    %dot_general3A_134 = tpu.matmul %convert_element_type3A_55, %mul3A_132, %dot_general3A_133 {dimension_numbers = #tpu.dot_dimension_numbers<[0], [0], [1], [1], [0, 1, 1, 1], [], []>, precision = #tpu.contract_precision<fp32>, transpose_lhs_hint = false} : vector<2048x128xf32>, vector<2048x128xf32>, vector<128x128xf32> -> vector<128x128xf32>
    %add3A_135 = arith.addf %dot_general3A_130, %dot_general3A_134 : vector<128x128xf32>
    %swap3A_136 = arith.constant 0 : index
    %swap3A_137 = arith.constant 0 : index
    %swap3A_138 = vector.load %arg4[%swap3A_136, %swap3A_137] : memref<128x128xf32, #tpu.memory_space<vmem>>, vector<128x128xf32>
    tpu.vector_store %arg4[%swap3A_136, %swap3A_137], %add3A_135 {strides = array<i32>} : memref<128x128xf32, #tpu.memory_space<vmem>>, vector<128x128xf32>,
    %mul3A_139 = vector.broadcast %div3A_45 : vector<2048x1xf32> to vector<2048x128xf32>
    %mul3A_140 = arith.mulf %select_n3A_94, %mul3A_139 : vector<2048x128xf32>
    %dot_general3A_141 = arith.constant dense<0.000000e+00> : vector<128x128xf32>
    %dot_general3A_142 = tpu.matmul %convert_element_type3A_51, %mul3A_140, %dot_general3A_141 {dimension_numbers = #tpu.dot_dimension_numbers<[0], [0], [1], [1], [0, 1, 1, 1], [], []>, precision = #tpu.contract_precision<fp32>, transpose_lhs_hint = false} : vector<2048x128xf32>, vector<2048x128xf32>, vector<128x128xf32> -> vector<128x128xf32>
    %mul3A_143 = vector.broadcast %sub3A_48 : vector<2048x1xf32> to vector<2048x128xf32>
    %mul3A_144 = arith.mulf %select_n3A_103, %mul3A_143 : vector<2048x128xf32>
    %dot_general3A_145 = arith.constant dense<0.000000e+00> : vector<128x128xf32>
    %dot_general3A_146 = tpu.matmul %convert_element_type3A_55, %mul3A_144, %dot_general3A_145 {dimension_numbers = #tpu.dot_dimension_numbers<[0], [0], [1], [1], [0, 1, 1, 1], [], []>, precision = #tpu.contract_precision<fp32>, transpose_lhs_hint = false} : vector<2048x128xf32>, vector<2048x128xf32>, vector<128x128xf32> -> vector<128x128xf32>
    %add3A_147 = arith.addf %dot_general3A_142, %dot_general3A_146 : vector<128x128xf32>
    %swap3A_148 = arith.constant 0 : index
    %swap3A_149 = arith.constant 0 : index
    %swap3A_150 = vector.load %arg5[%swap3A_148, %swap3A_149] : memref<128x128xf32, #tpu.memory_space<vmem>>, vector<128x128xf32>
    tpu.vector_store %arg5[%swap3A_148, %swap3A_149], %add3A_147 {strides = array<i32>} : memref<128x128xf32, #tpu.memory_space<vmem>>, vector<128x128xf32>,
    %mul3A_151 = vector.broadcast %floor3A : vector<2048x1xf32> to vector<2048x128xf32>
    %mul3A_152 = arith.mulf %select_n3A_94, %mul3A_151 : vector<2048x128xf32>
    %dot_general3A_153 = arith.constant dense<0.000000e+00> : vector<128x128xf32>
    %dot_general3A_154 = tpu.matmul %convert_element_type3A_51, %mul3A_152, %dot_general3A_153 {dimension_numbers = #tpu.dot_dimension_numbers<[0], [0], [1], [1], [0, 1, 1, 1], [], []>, precision = #tpu.contract_precision<fp32>, transpose_lhs_hint = false} : vector<2048x128xf32>, vector<2048x128xf32>, vector<128x128xf32> -> vector<128x128xf32>
    %mul3A_155 = vector.broadcast %floor3A : vector<2048x1xf32> to vector<2048x128xf32>
    %mul3A_156 = arith.mulf %select_n3A_103, %mul3A_155 : vector<2048x128xf32>
    %dot_general3A_157 = arith.constant dense<0.000000e+00> : vector<128x128xf32>
    %dot_general3A_158 = tpu.matmul %convert_element_type3A_55, %mul3A_156, %dot_general3A_157 {dimension_numbers = #tpu.dot_dimension_numbers<[0], [0], [1], [1], [0, 1, 1, 1], [], []>, precision = #tpu.contract_precision<fp32>, transpose_lhs_hint = false} : vector<2048x128xf32>, vector<2048x128xf32>, vector<128x128xf32> -> vector<128x128xf32>
    %add3A_159 = arith.addf %dot_general3A_154, %dot_general3A_158 : vector<128x128xf32>
    %swap3A_160 = arith.constant 0 : index
    %swap3A_161 = arith.constant 0 : index
    %swap3A_162 = vector.load %arg6[%swap3A_160, %swap3A_161] : memref<128x128xf32, #tpu.memory_space<vmem>>, vector<128x128xf32>
    tpu.vector_store %arg6[%swap3A_160, %swap3A_161], %add3A_159 {strides = array<i32>} : memref<128x128xf32, #tpu.memory_space<vmem>>, vector<128x128xf32>,
    return
  }
}

module attributes {stable_mosaic.version = 14 : i64} {
  func.func @_expert_body(%arg0: i32, %arg1: memref<1x128x1024xf32, #tpu.memory_space<vmem>>, %arg2: memref<1x1024x128xf32, #tpu.memory_space<vmem>>, %arg3: memref<1x1x128xf32, #tpu.memory_space<vmem>>, %arg4: memref<1x128x1024xf32, #tpu.memory_space<vmem>>, %arg5: memref<1x1x1024xf32, #tpu.memory_space<vmem>>, %arg6: memref<1024x128xf32, #tpu.memory_space<vmem>>, %arg7: memref<1x1x128xf32, #tpu.memory_space<vmem>>, %arg8: memref<1x1x128xf32, #tpu.memory_space<vmem>>, %arg9: memref<8x128xf32, #tpu.memory_space<vmem>>, %arg10: memref<8x128xf32, #tpu.memory_space<vmem>>, %arg11: memref<8x128xf32, #tpu.memory_space<vmem>>) attributes {dimension_semantics = [#tpu.dimension_semantics<arbitrary>], iteration_bounds = array<i64: 96>, scalar_prefetch = 0 : i64, scratch_operands = 1 : i64, tpu.core_type = #tpu.core_type<tc>, window_params = [{transform_indices = @transform_0, window_bounds = array<i64: 1, 128, 1024>}, {transform_indices = @transform_1, window_bounds = array<i64: 1, 1024, 128>}, {transform_indices = @transform_2, window_bounds = array<i64: 1, 1, 128>}, {transform_indices = @transform_3, window_bounds = array<i64: 1, 128, 1024>}, {transform_indices = @transform_4, window_bounds = array<i64: 1, 1, 1024>}, {pipeline_mode = #tpu.pipeline_mode<synchronous>, transform_indices = @transform_5, window_bounds = array<i64: 1024, 128>}, {transform_indices = @transform_6, window_bounds = array<i64: 1, 1, 128>}, {transform_indices = @transform_7, window_bounds = array<i64: 1, 1, 128>}, {pipeline_mode = #tpu.pipeline_mode<synchronous>, transform_indices = @transform_8, window_bounds = array<i64: 8, 128>}, {pipeline_mode = #tpu.pipeline_mode<synchronous>, transform_indices = @transform_9, window_bounds = array<i64: 8, 128>}]} {
    %get3A = arith.constant 0 : index
    %get3A_0 = arith.constant 0 : index
    %get3A_1 = arith.constant 0 : index
    %get3A_2 = vector.load %arg1[%get3A, %get3A_0, %get3A_1] : memref<1x128x1024xf32, #tpu.memory_space<vmem>>, vector<1x128x1024xf32>
    %get3A_3 = vector.shape_cast %get3A_2 : vector<1x128x1024xf32> to vector<128x1024xf32>
    %get3A_4 = arith.constant 0 : index
    %get3A_5 = arith.constant 0 : index
    %get3A_6 = arith.constant 0 : index
    %get3A_7 = vector.load %arg2[%get3A_4, %get3A_5, %get3A_6] : memref<1x1024x128xf32, #tpu.memory_space<vmem>>, vector<1x1024x128xf32>
    %get3A_8 = vector.shape_cast %get3A_7 : vector<1x1024x128xf32> to vector<1024x128xf32>
    %dot_general3A = arith.constant dense<0.000000e+00> : vector<128x128xf32>
    %dot_general3A_9 = tpu.matmul %get3A_3, %get3A_8, %dot_general3A {dimension_numbers = #tpu.dot_dimension_numbers<[1], [0], [0], [1], [0, 0, 1, 1], [], []>, transpose_lhs_hint = false} : vector<128x1024xf32>, vector<1024x128xf32>, vector<128x128xf32> -> vector<128x128xf32>
    %get3A_10 = arith.constant 0 : index
    %get3A_11 = arith.constant 0 : index
    %get3A_12 = arith.constant 0 : index
    %get3A_13 = vector.load %arg3[%get3A_10, %get3A_11, %get3A_12] : memref<1x1x128xf32, #tpu.memory_space<vmem>>, vector<1x1x128xf32>
    %get3A_14 = vector.shape_cast %get3A_13 : vector<1x1x128xf32> to vector<1x128xf32>
    %add3A = vector.broadcast %get3A_14 : vector<1x128xf32> to vector<128x128xf32>
    %add3A_15 = arith.addf %dot_general3A_9, %add3A : vector<128x128xf32>
    %max3A = arith.constant 0.000000e+00 : f32
    %max3A_16 = vector.broadcast %max3A : f32 to vector<128x128xf32>
    %max3A_17 = arith.maximumf %add3A_15, %max3A_16 : vector<128x128xf32>
    %get3A_18 = arith.constant 0 : index
    %get3A_19 = arith.constant 0 : index
    %get3A_20 = arith.constant 0 : index
    %get3A_21 = vector.load %arg4[%get3A_18, %get3A_19, %get3A_20] : memref<1x128x1024xf32, #tpu.memory_space<vmem>>, vector<1x128x1024xf32>
    %get3A_22 = vector.shape_cast %get3A_21 : vector<1x128x1024xf32> to vector<128x1024xf32>
    %get3A_23 = arith.constant 0 : index
    %get3A_24 = arith.constant 0 : index
    %get3A_25 = vector.load %arg6[%get3A_23, %get3A_24] : memref<1024x128xf32, #tpu.memory_space<vmem>>, vector<1024x128xf32>
    %dot_general3A_26 = arith.constant dense<0.000000e+00> : vector<128x128xf32>
    %dot_general3A_27 = tpu.matmul %get3A_22, %get3A_25, %dot_general3A_26 {dimension_numbers = #tpu.dot_dimension_numbers<[1], [0], [0], [1], [0, 0, 1, 1], [], []>, transpose_lhs_hint = false} : vector<128x1024xf32>, vector<1024x128xf32>, vector<128x128xf32> -> vector<128x128xf32>
    %dot_general3A_28 = arith.constant dense<0.000000e+00> : vector<128x128xf32>
    %dot_general3A_29 = tpu.matmul %max3A_17, %dot_general3A_27, %dot_general3A_28 {dimension_numbers = #tpu.dot_dimension_numbers<[1], [0], [0], [1], [0, 0, 1, 1], [], []>, transpose_lhs_hint = false} : vector<128x128xf32>, vector<128x128xf32>, vector<128x128xf32> -> vector<128x128xf32>
    %get3A_30 = arith.constant 0 : index
    %get3A_31 = arith.constant 0 : index
    %get3A_32 = arith.constant 0 : index
    %get3A_33 = vector.load %arg5[%get3A_30, %get3A_31, %get3A_32] : memref<1x1x1024xf32, #tpu.memory_space<vmem>>, vector<1x1x1024xf32>
    %get3A_34 = vector.shape_cast %get3A_33 : vector<1x1x1024xf32> to vector<1x1024xf32>
    %get3A_35 = arith.constant 0 : index
    %get3A_36 = arith.constant 0 : index
    %get3A_37 = vector.load %arg6[%get3A_35, %get3A_36] : memref<1024x128xf32, #tpu.memory_space<vmem>>, vector<1024x128xf32>
    %dot_general3A_38 = arith.constant dense<0.000000e+00> : vector<1x128xf32>
    %dot_general3A_39 = tpu.matmul %get3A_34, %get3A_37, %dot_general3A_38 {dimension_numbers = #tpu.dot_dimension_numbers<[1], [0], [0], [1], [0, 0, 1, 1], [], []>, transpose_lhs_hint = false} : vector<1x1024xf32>, vector<1024x128xf32>, vector<1x128xf32> -> vector<1x128xf32>
    %add3A_40 = vector.broadcast %dot_general3A_39 : vector<1x128xf32> to vector<128x128xf32>
    %add3A_41 = arith.addf %dot_general3A_29, %add3A_40 : vector<128x128xf32>
    %iota3A = tpu.iota {dimensions = array<i32: 0>} : vector<8x128xi32>
    %convert_element_type3A = arith.sitofp %iota3A : vector<8x128xi32> to vector<8x128xf32>
    %get3A_42 = arith.constant 0 : index
    %get3A_43 = arith.constant 0 : index
    %get3A_44 = arith.constant 0 : index
    %get3A_45 = vector.load %arg8[%get3A_42, %get3A_43, %get3A_44] : memref<1x1x128xf32, #tpu.memory_space<vmem>>, vector<1x1x128xf32>
    %get3A_46 = vector.shape_cast %get3A_45 : vector<1x1x128xf32> to vector<1x128xf32>
    %eq3A = vector.broadcast %get3A_46 : vector<1x128xf32> to vector<8x128xf32>
    %eq3A_47 = arith.cmpf oeq, %convert_element_type3A, %eq3A : vector<8x128xf32>
    %get3A_48 = arith.constant 0 : index
    %get3A_49 = arith.constant 0 : index
    %get3A_50 = arith.constant 0 : index
    %get3A_51 = vector.load %arg7[%get3A_48, %get3A_49, %get3A_50] : memref<1x1x128xf32, #tpu.memory_space<vmem>>, vector<1x1x128xf32>
    %get3A_52 = vector.shape_cast %get3A_51 : vector<1x1x128xf32> to vector<1x128xf32>
    %jit3A = arith.constant 0.000000e+00 : f32
    %broadcast_in_dim3A = vector.shape_cast %get3A_52 : vector<1x128xf32> to vector<1x128xf32>
    %broadcast_in_dim3A_53 = vector.broadcast %broadcast_in_dim3A : vector<1x128xf32> to vector<8x128xf32>
    %broadcast_in_dim3A_54 = vector.broadcast %jit3A : f32 to vector<8x128xf32>
    %select_n3A = arith.select %eq3A_47, %broadcast_in_dim3A_53, %broadcast_in_dim3A_54 : vector<8x128xi1>, vector<8x128xf32>
    %dot_general3A_55 = arith.constant dense<0.000000e+00> : vector<8x128xf32>
    %dot_general3A_56 = tpu.matmul %select_n3A, %add3A_41, %dot_general3A_55 {dimension_numbers = #tpu.dot_dimension_numbers<[1], [0], [0], [1], [0, 0, 1, 1], [], []>, transpose_lhs_hint = false} : vector<8x128xf32>, vector<128x128xf32>, vector<8x128xf32> -> vector<8x128xf32>
    %eq3A_57 = arith.constant 0 : i32
    %eq3A_58 = arith.cmpi eq, %arg0, %eq3A_57 : i32
    %convert_element_type3A_59 = arith.extui %eq3A_58 : i1 to i32
    %cond3A = arith.constant 0 : i32
    %cond3A_60 = arith.cmpi ne, %convert_element_type3A_59, %cond3A : i32
    scf.if %cond3A_60 {
      %broadcast_in_dim3A_72 = arith.constant 0.000000e+00 : f32
      %broadcast_in_dim3A_73 = vector.broadcast %broadcast_in_dim3A_72 : f32 to vector<8x128xf32>
      %swap3A_74 = arith.constant 0 : index
      %swap3A_75 = arith.constant 0 : index
      %swap3A_76 = vector.load %arg11[%swap3A_74, %swap3A_75] : memref<8x128xf32, #tpu.memory_space<vmem>>, vector<8x128xf32>
      tpu.vector_store %arg11[%swap3A_74, %swap3A_75], %broadcast_in_dim3A_73 {strides = array<i32>} : memref<8x128xf32, #tpu.memory_space<vmem>>, vector<8x128xf32>,
    } else {
    }
    %get3A_61 = arith.constant 0 : index
    %get3A_62 = arith.constant 0 : index
    %get3A_63 = vector.load %arg11[%get3A_61, %get3A_62] : memref<8x128xf32, #tpu.memory_space<vmem>>, vector<8x128xf32>
    %add3A_64 = arith.addf %get3A_63, %dot_general3A_56 : vector<8x128xf32>
    %swap3A = arith.constant 0 : index
    %swap3A_65 = arith.constant 0 : index
    %swap3A_66 = vector.load %arg11[%swap3A, %swap3A_65] : memref<8x128xf32, #tpu.memory_space<vmem>>, vector<8x128xf32>
    tpu.vector_store %arg11[%swap3A, %swap3A_65], %add3A_64 {strides = array<i32>} : memref<8x128xf32, #tpu.memory_space<vmem>>, vector<8x128xf32>,
    %eq3A_67 = arith.constant 95 : i32
    %eq3A_68 = arith.cmpi eq, %arg0, %eq3A_67 : i32
    %convert_element_type3A_69 = arith.extui %eq3A_68 : i1 to i32
    %cond3A_70 = arith.constant 0 : i32
    %cond3A_71 = arith.cmpi ne, %convert_element_type3A_69, %cond3A_70 : i32
    scf.if %cond3A_71 {
      %get3A_72 = arith.constant 0 : index
      %get3A_73 = arith.constant 0 : index
      %get3A_74 = vector.load %arg11[%get3A_72, %get3A_73] : memref<8x128xf32, #tpu.memory_space<vmem>>, vector<8x128xf32>
      %mul3A = arith.constant 3.906250e-03 : f32
      %mul3A_75 = vector.broadcast %mul3A : f32 to vector<8x128xf32>
      %mul3A_76 = arith.mulf %get3A_74, %mul3A_75 : vector<8x128xf32>
      %get3A_77 = arith.constant 0 : index
      %get3A_78 = arith.constant 0 : index
      %get3A_79 = vector.load %arg9[%get3A_77, %get3A_78] : memref<8x128xf32, #tpu.memory_space<vmem>>, vector<8x128xf32>
      %add3A_80 = arith.addf %mul3A_76, %get3A_79 : vector<8x128xf32>
      %swap3A_81 = arith.constant 0 : index
      %swap3A_82 = arith.constant 0 : index
      %swap3A_83 = vector.load %arg10[%swap3A_81, %swap3A_82] : memref<8x128xf32, #tpu.memory_space<vmem>>, vector<8x128xf32>
      tpu.vector_store %arg10[%swap3A_81, %swap3A_82], %add3A_80 {strides = array<i32>} : memref<8x128xf32, #tpu.memory_space<vmem>>, vector<8x128xf32>,
    } else {
    }
    return
  }
  func.func @transform_0(%arg0: i32) -> (i32, i32, i32) {
    %c0_i32 = arith.constant 0 : i32
    %c0_i32_0 = arith.constant 0 : i32
    %c0_i32_1 = arith.constant 0 : i32
    return %arg0, %c0_i32, %c0_i32_0 : i32, i32, i32
  }
  func.func @transform_1(%arg0: i32) -> (i32, i32, i32) {
    %c0_i32 = arith.constant 0 : i32
    %c0_i32_0 = arith.constant 0 : i32
    %c0_i32_1 = arith.constant 0 : i32
    return %arg0, %c0_i32, %c0_i32_0 : i32, i32, i32
  }
  func.func @transform_2(%arg0: i32) -> (i32, i32, i32) {
    %c0_i32 = arith.constant 0 : i32
    %c0_i32_0 = arith.constant 0 : i32
    %c0_i32_1 = arith.constant 0 : i32
    return %arg0, %c0_i32, %c0_i32_0 : i32, i32, i32
  }
  func.func @transform_3(%arg0: i32) -> (i32, i32, i32) {
    %c0_i32 = arith.constant 0 : i32
    %c0_i32_0 = arith.constant 0 : i32
    %c0_i32_1 = arith.constant 0 : i32
    return %arg0, %c0_i32, %c0_i32_0 : i32, i32, i32
  }
  func.func @transform_4(%arg0: i32) -> (i32, i32, i32) {
    %c0_i32 = arith.constant 0 : i32
    %c0_i32_0 = arith.constant 0 : i32
    %c0_i32_1 = arith.constant 0 : i32
    return %arg0, %c0_i32, %c0_i32_0 : i32, i32, i32
  }
  func.func @transform_5(%arg0: i32) -> (i32, i32) {
    %c0_i32 = arith.constant 0 : i32
    %c0_i32_0 = arith.constant 0 : i32
    %c0_i32_1 = arith.constant 0 : i32
    return %c0_i32, %c0_i32_0 : i32, i32
  }
  func.func @transform_6(%arg0: i32) -> (i32, i32, i32) {
    %c0_i32 = arith.constant 0 : i32
    %c0_i32_0 = arith.constant 0 : i32
    %c0_i32_1 = arith.constant 0 : i32
    return %arg0, %c0_i32, %c0_i32_0 : i32, i32, i32
  }
  func.func @transform_7(%arg0: i32) -> (i32, i32, i32) {
    %c0_i32 = arith.constant 0 : i32
    %c0_i32_0 = arith.constant 0 : i32
    %c0_i32_1 = arith.constant 0 : i32
    return %arg0, %c0_i32, %c0_i32_0 : i32, i32, i32
  }
  func.func @transform_8(%arg0: i32) -> (i32, i32) {
    %c0_i32 = arith.constant 0 : i32
    %c0_i32_0 = arith.constant 0 : i32
    %c0_i32_1 = arith.constant 0 : i32
    return %c0_i32, %c0_i32_0 : i32, i32
  }
  func.func @transform_9(%arg0: i32) -> (i32, i32) {
    %c0_i32 = arith.constant 0 : i32
    %c0_i32_0 = arith.constant 0 : i32
    %c0_i32_1 = arith.constant 0 : i32
    return %c0_i32, %c0_i32_0 : i32, i32
  }
}

</mosaic_0001>

<sc_bundles>
// kernel: kernel.5.cloned.1.call-start
scs
__scs_entry_jumppad:
0x0: {  	(pc) =	sbr.rel $0x88, $3  }
0x1: {  	(tag) =	ssettag $0x0;
	lr =	simm.s32 $0x1  }
0x2: {  	[smem:$0x3F96] =	sst lr;
	_ =	strace $0xD0000000  }
0x3: {  	_ = 	snop  }
0x4: {  	_ = 	snop  }
0x5: {  	_ = 	snop  }
0x6: {  	_ = 	snop  }
0x7: {  	_ = 	snop  }
__scs_overlays_trampoline_lowered:
0x8: {  	[smem:$0x3FA5] =	sst s0  }
0x9: {  	[smem:$0x3FA6] =	sst s1  }
0xa: {  	[smem:$0x3FA7] =	sst s2  }
0xb: {  	[smem:$0x3FA8] =	sst s3  }
0xc: {  	[smem:$0x3FA9] =	sst s4  }
0xd: {  	[smem:$0x3FAA] =	sst s5  }
0xe: {  	[smem:$0x3FAB] =	sst s6  }
0xf: {  	[smem:$0x3FAC] =	sst s7  }
0x10: {  	[smem:$0x3FAD] =	sst s8  }
0x11: {  	[smem:$0x3FAE] =	sst s9;
	s0 =	simm.s32 @!p0 $0x0  }
0x12: {  	s1 =	sld [smem:$0x3F94];
	s0 =	simm.s32 @p0 $0x1  }
0x13: {  	[smem:$0x3FAF] =	sst s0;
	s0 =	simm.s32 @!p1 $0x0  }
0x14: {  	s2 =	sld [smem:$0x3F93];
	s0 =	simm.s32 @p1 $0x1  }
0x15: {  	[smem:$0x3FB0] =	sst s0;
	s0 =	simm.s32 @!p2 $0x0  }
0x16: {  	s3 =	sld [smem:$0x3FDB];
	s0 =	simm.s32 @p2 $0x1  }
0x17: {  	s4 =	simm.s32 $0x1BF5;
	[smem:$0x3FB2] =	sst s0  }
0x18: {  	s0 =	sld [smem:$0x3F95];
	_ =	swait.ge [sflag:s4], $0x0  }
0x19: {  	s7 =	sld [smem:$0x3F96]  }
0x1a: {  	s8 =	sadd.s32 $0xFFFFE003, lr  }
0x1b: {  	s9 =	sadd.s32 $0xFFFFFEF7, lr;
	s5 =	simm.s32 $0xFFFFFFFF;
	p2 =	slt.u32 s8, $0xFFFFF086  }
0x1c: {  	p1 =	slt.u32 s9, $0xF7A;
	s5 =	simm.s32 @!p2 $0x0  }
0x1d: {  	s5 =	simm.s32 @p1 $0x1;
	p0 =	seq.s32 s7, s2  }
0x1e: {  	s7 =	smul.u32 @!p0 $0xF7A, s2;
	p2 =	seq.s32 @!p0 s5, $0x0  }
0x1f: {  	s9 =	smul.u32 $0xF7A, s1;
	s8 =	simm.s32 @!p0 $0x1BF5;
	p2 =	por !p2, p0  }
0x20: {  	[sflag:s8] =	ssyncset.s32 @!p0 $0xFFFFF086;
	s6 =	sadd.s32 @!p0 s3, s7;
	s7 =	simm.s32 @!p0 $0x108  }
0x21: {  	s3 =	sadd.s32 s3, s9;
	s6 =	sadd.s32 @!p0 $0x88, s6;
	s7 =	simm.s32 @p2 $0x1082  }
0x22: {  	[simem:s7], [sflag:s8] =	dma.local @!p0 [hbm:s6], $0xF7A  }
0x23: {  	s9 =	sor.u32 $0xD0000000, s2;
	s6 =	simm.s32 $0x108;
	_ =	swait.ge @!p0 [sflag:s8], $0x0  }
0x24: {  	s3 =	sadd.s32 $0x88, s3;
	s6 =	simm.s32 @!p1 $0x1082;
	[sflag:s4] =	ssyncset.s32 $0xFFFFF086  }
0x25: {  	[simem:s6], [sflag:s4] =	dma.local [hbm:s3], $0xF7A  }
0x26: {  	[smem:$0x3F96] =	sst s1;
	(tag) =	ssettag s2;
	_ =	strace s9  }
0x27: {  	s1 =	sld [smem:$0x3FA6]  }
0x28: {  	s2 =	sld [smem:$0x3FA7]  }
0x29: {  	s4 =	sld [smem:$0x3FA9]  }
0x2a: {  	p0 =	seq.s32 s5, $0x0;
	s5 =	sld [smem:$0x3FAA]  }
0x2b: {  	s6 =	sld [smem:$0x3FAB]  }
0x2c: {  	s7 =	sld [smem:$0x3FAC]  }
0x2d: {  	s3 =	simm.s32 $0x108;
	s8 =	sld [smem:$0x3FAD]  }
0x2e: {  	s3 =	simm.s32 @!p0 $0x1082;
	s9 =	sld [smem:$0x3FAE]  }
0x2f: {  	lr =	sadd.s32 s0, s3;
	s0 =	sld [smem:$0x3FA5]  }
0x30: {  	s3 =	sld [smem:$0x3FA8]  }
0x31: {  	[smem:$0x3FB1] =	sst s10  }
0x32: {  	s10 =	sld [smem:$0x3FAF];
	_ =	sdelay $0x3  }
0x33: {  	p0 =	seq.s32 s10, $0x1;
	s10 =	sld [smem:$0x3FB1];
	_ =	sdelay $0x3  }
0x34: {  	[smem:$0x3FB1] =	sst s10  }
0x35: {  	s10 =	sld [smem:$0x3FB0];
	_ =	sdelay $0x3  }
0x36: {  	p1 =	seq.s32 s10, $0x1;
	s10 =	sld [smem:$0x3FB1];
	_ =	sdelay $0x3  }
0x37: {  	[smem:$0x3FB1] =	sst s10  }
0x38: {  	s10 =	sld [smem:$0x3FB2]  }
0x39: {  	_ = 	snop;
	(pc) =	sbr.ind lr, $3  }
0x3a: {  	_ = 	snop  }
0x3b: {  	_ = 	snop  }
0x3c: {  	p2 =	seq.s32 s10, $0x1;
	s10 =	sld [smem:$0x3FB1]  }
0x3d: {  	_ =	shalt  }
0x3e: {  	_ =	shalt  }
0x3f: {  	_ =	shalt  }
0x40: {  	_ =	shalt  }
0x41: {  	_ =	shalt  }
0x42: {  	_ =	shalt  }
0x43: {  	_ =	shalt  }
0x44: {  	_ =	shalt  }
0x45: {  	_ =	shalt  }
0x46: {  	_ =	shalt  }
0x47: {  	_ =	shalt  }
0x48: {  	_ =	shalt  }
0x49: {  	_ =	shalt  }
0x4a: {  	_ =	shalt  }
0x4b: {  	_ =	shalt  }
0x4c: {  	_ =	shalt  }
0x4d: {  	_ =	shalt  }
0x4e: {  	_ =	shalt  }
0x4f: {  	_ =	shalt  }
0x50: {  	_ =	shalt  }
0x51: {  	_ =	shalt  }
0x52: {  	_ =	shalt  }
0x53: {  	_ =	shalt  }
0x54: {  	_ =	shalt  }
0x55: {  	_ =	shalt  }
0x56: {  	_ =	shalt  }
0x57: {  	_ =	shalt  }
0x58: {  	_ =	shalt  }
0x59: {  	_ =	shalt  }
0x5a: {  	_ =	shalt  }
0x5b: {  	_ =	shalt  }
0x5c: {  	_ =	shalt  }
0x5d: {  	_ =	shalt  }
0x5e: {  	_ =	shalt  }
0x5f: {  	_ =	shalt  }
0x60: {  	_ =	shalt  }
0x61: {  	_ =	shalt  }
0x62: {  	_ =	shalt  }
0x63: {  	_ =	shalt  }
0x64: {  	_ =	shalt  }
0x65: {  	_ =	shalt  }
0x66: {  	_ =	shalt  }
0x67: {  	_ =	shalt  }
0x68: {  	_ =	shalt  }
0x69: {  	_ =	shalt  }
0x6a: {  	_ =	shalt  }
0x6b: {  	_ =	shalt  }
0x6c: {  	_ =	shalt  }
0x6d: {  	_ =	shalt  }
0x6e: {  	_ =	shalt  }
0x6f: {  	_ =	shalt  }
0x70: {  	_ =	shalt  }
0x71: {  	_ =	shalt  }
0x72: {  	_ =	shalt  }
0x73: {  	_ =	shalt  }
0x74: {  	_ =	shalt  }
0x75: {  	_ =	shalt  }
0x76: {  	_ =	shalt  }
0x77: {  	_ =	shalt  }
0x78: {  	_ =	shalt  }
0x79: {  	_ =	shalt  }
0x7a: {  	_ =	shalt  }
0x7b: {  	_ =	shalt  }
0x7c: {  	_ =	shalt  }
0x7d: {  	_ =	shalt  }
0x7e: {  	_ =	shalt  }
0x7f: {  	_ =	shalt  }
0x80: {  	_ =	shalt  }
0x81: {  	_ =	shalt  }
0x82: {  	_ =	shalt  }
0x83: {  	_ =	shalt  }
0x84: {  	_ =	shalt  }
0x85: {  	_ =	shalt  }
0x86: {  	_ =	shalt  }
0x87: {  	_ =	shalt  }
.Lfunc_end0:
.L_simem_size_0:
called_computation_lowered:
.L_overlay_start_0:
0x88: {  	s2 =	sld [smem:$0x3FD9]  }
0x89: {  	s3 =	sld [smem:$0x3FFE];
	_ =	sdelay $0x1  }
0x8a: {  	s1 =	srdreg.scid  }
0x8b: {  	s0 =	sand.u32 $0x1, s1  }
0x8c: {  	s17 =	sshll.u32 s0, $0xA;
	s2 =	sadd.s32 s3, s2  }
0x8d: {  	s2 =	sadd.s32 s2, s17  }
0x8e: {  	[smem:$0x3FBD] =	sst s2  }
0x8f: {  	_ = 	snop  }
0x90: {  	s2 =	sld [smem:$0x3FC8];
	(tm) =	ssettm $0x1  }
0x91: {  	s18 =	sld [smem:$0x3FFB];
	_ =	sdelay $0x3  }
0x92: {  	_ =	strace s18  }
0x93: {  	s3 =	sld [smem:$0x3FFC];
	_ =	sdelay $0x3  }
0x94: {  	_ =	strace s3  }
0x95: {  	s3 =	sld [smem:$0x3FFD];
	_ =	sdelay $0x3  }
0x96: {  	_ =	strace s3  }
0x97: {  	_ =	strace $0x8FFFFFFF  }
0x98: {  	s19 =	sld [smem:$0x3FDB];
	_ =	sdelay $0x1  }
0x99: {  	s4 =	simm.s32 $_scs_section_size  }
0x9a: {  	s5 =	simm.s32 $_size__tile_overlayer_lowered;
	s6 =	simm.s32 $_tile_overlayer_lowered  }
0x9b: {  	s22 =	simm.s32 $0x1BFF;
	s21 =	sshll.u32 s6, $0x1;
	s3 =	sadd.s32 s4, s19  }
0x9c: {  	s7 =	simm.s32 $0x0;
	s20 =	sshll.u32 s5, $0x1;
	s5 =	sadd.s32 s21, s3  }
0x9d: {  	[timem:s7], [sflag:s22] =	dma.local [hbm:s5], s20  }
0x9e: {  	_ =	swait.ge [sflag:s22], s20  }
0x9f: {  	s4 =	ssub.s32 $0x0, s20;
	[sflag:s22] =	ssyncset.done $0x0  }
0xa0: {  	[sflag:s22] =	ssyncadd.s32 s4;
	_ =	sdelay $0x1  }
0xa1: {  	s23 =	simm.s32 $0x1B8B  }
0xa2: {  	_ =	swait.ge [sflag:s23], $0x1  }
0xa3: {  	[sflag:s23] =	ssyncset.done $0x0  }
0xa4: {  	s25 =	simm.s32 $0x1B8E;
	s24 =	sld [smem:$0x3FFE];
	[sflag:s23] =	ssyncadd.s32 $0xFFFFFFFF  }
0xa5: {  	s26 =	simm.s32 $execute0_lowered;
	[smem:$0x3FD2] =	sst s25  }
0xa6: {  	s5 =	sshll.u32 s26, $0x1;
	_ =	strace $0x80000046;
	[dreg:$0x1] =	wrdreg $0xFFFFFFFF  }
0xa7: {  	s28 =	simm.s32 $_size_execute0_lowered;
	s3 =	sadd.s32 s3, s5;
	[dreg:$0x0] =	wrdreg $0x0  }
0xa8: {  	s5 =	sshll.u32 s28, $0x1;
	[dreg:$0x2] =	wrdreg s3  }
0xa9: {  	[dreg:$0x3] =	wrdreg s5  }
0xaa: {  	[dreg:$0x4] =	wrdreg $0xC0  }
0xab: {  	_ =	task [dreg:s7], $0x5FFFF  }
0xac: {  	[dreg:$0x1] =	wrdreg $0xFFFFFFFF  }
0xad: {  	[dreg:$0x0] =	wrdreg $0x60  }
0xae: {  	[dreg:$0x2] =	wrdreg s2  }
0xaf: {  	[dreg:$0x3] =	wrdreg s24  }
0xb0: {  	[dreg:$0x4] =	wrdreg $0x9  }
0xb1: {  	_ =	task.clear_ibuf [dreg:s7], $0x5FFFF;
	_ =	strace $0x90000046  }
0xb2: {  	s29 =	simm.s32 $0x9;
	_ =	strace $0x80000048  }
0xb3: {  	_ =	swait.ge [sflag:s29], $0x1  }
0xb4: {  	[sflag:s29] =	ssyncadd.s32 $0xFFFFFFFF  }
0xb5: {  	_ =	strace $0x90000048  }
0xb6: {  	_ =	sfence  }
0xb7: {  	s30 =	sld [smem:$0x0];
	_ =	sdelay $0x2  }
0xb8: {  	s31 =	sshll.u32 s1, $0xD;
	s1 =	sshrl.u32 s1, $0x2  }
0xb9: {  	s3 =	sand.u32 $0x4000, s31;
	s1 =	sadd.s32 s1, s30  }
0xba: {  	s0 =	sor.u32 s3, s0;
	s1 =	sshll.u32 s1, $0x11  }
0xbb: {  	s0 =	sor.u32 s1, s0  }
0xbc: {  	s0 =	sadd.s32 $0x8F2B, s0  }
0xbd: {  	[sflag:s0] =	ssyncadd.remote.s32 $0x1  }
0xbe: {  	_ =	sfence.sel $0xFFFF  }
0xbf: {  	[dreg:$0x0] =	wrdreg $0xFFFFFFFF;
	(pc) =	sbr.abs _section_cstart, $3  }
0xc0: {  	[dreg:$0x1] =	wrdreg $0xFFFFFFFF  }
0xc1: {  	_ =	task.clear_ibuf [dreg:s7], $0x2FFFF;
	_ =	strace $0x9FFFFFFF  }
0xc2: {  	(tm) =	ssettm $0x7FFFFFFF  }
0xc3: {  	_ =	shalt  }
tec
execute0_lowered:
.L_overlay_start_1:
0x0: {  	(tag) =	ssettag $0x1  }
0x1: {  	s0 =	srdreg.scid;
	s1 =	stileid.u32  }
0x2: {  	s0 =	sand.u32 $0x1, s0;
	s1 =	sshll.u32 s1, $0x1  }
0x3: {  	s1 =	sor.u32 s0, s1  }
0x4: {  	s2 =	rddreg [dreg:$0x0];
	s5 =	smul.u32 $0x30, s1  }
0x5: {  	s4 =	rddreg [dreg:$0x1];
	s3 =	simm.s32 $0x0  }
0x6: {  	s12 =	simm.s32 $0x1;
	s6 =	smul.u32 $0xC000, s1;
	s5 =	sadd.s32 s5, s4  }
0x7: {  	[smem:$0x7FF] =	sst s3;
	s4 =	sadd.s32 $0x2A00, s4;
	s5 =	sadd.s32 $0x2400, s5  }
0x8: {  	_ =	strace $0x80000047;
	s6 =	sadd.s32 s4, s6;
	[dreg:$0x3] =	wrdreg s5  }
0x9: {  	s13 =	simm.s32 $0x5;
	s17 =	sadd.s32 $0xC00, s6;
	[dreg:$0x13] =	wrdreg s6  }
0xa: {  	s1 =	smul.u32 $0x60000, s1;
	s18 =	sadd.s32 $0x1800, s6;
	[dreg:$0x4] =	wrdreg s17  }
0xb: {  	s14 =	simm.s32 $0x2;
	s19 =	sadd.s32 $0x2400, s6;
	[dreg:$0x5] =	wrdreg s18  }
0xc: {  	s1 =	sshrl.u32 s1, $0x3;
	s20 =	sadd.s32 $0x3000, s6;
	[dreg:$0x6] =	wrdreg s19  }
0xd: {  	s1 =	sadd.s32 s4, s1;
	s21 =	sadd.s32 $0x3C00, s6;
	[dreg:$0x7] =	wrdreg s20  }
0xe: {  	s15 =	simm.s32 $0x6;
	s4 =	sadd.s32 $0x4800, s1;
	[dreg:$0x8] =	wrdreg s21  }
0xf: {  	s16 =	simm.s32 $0x3;
	s22 =	sadd.s32 $0x5400, s1;
	[dreg:$0x9] =	wrdreg s4  }
0x10: {  	s9 =	simm.s32 $0x6180;
	s23 =	sadd.s32 $0x6000, s1;
	[dreg:$0xa] =	wrdreg s22  }
0x11: {  	s7 =	sadd.s32 $0x300, s2;
	s24 =	sadd.s32 $0x6C00, s1;
	[dreg:$0xb] =	wrdreg s23  }
0x12: {  	s0 =	ssub.s32 $0x2, s0;
	s25 =	sadd.s32 $0x7800, s1;
	[dreg:$0xc] =	wrdreg s24  }
0x13: {  	s28 =	sshrl.u32 s0, $0x1;
	s26 =	sadd.s32 $0x8400, s1;
	[dreg:$0xd] =	wrdreg s25  }
0x14: {  	s0 =	ssub.s32 s0, s28;
	s29 =	sadd.s32 $0x9000, s1;
	[dreg:$0xe] =	wrdreg s26  }
0x15: {  	s8 =	smax.u32 s0, $0x1;
	s30 =	sadd.s32 $0x9C00, s1;
	[dreg:$0xf] =	wrdreg s29  }
0x16: {  	s5 =	sadd.s32 $0x100, s2;
	s31 =	sadd.s32 $0xA800, s1;
	[dreg:$0x10] =	wrdreg s30  }
0x17: {  	v2 =	vlaneseq.u32;
	s6 =	sadd.s32 $0x200, s2;
	s1 =	sadd.s32 $0xB400, s1;
	[dreg:$0x11] =	wrdreg s31  }
0x18: {  	vm0 =	vmmov $0xffff;
	v1 =	vshrl.u32 v2, $0x3;
	[dreg:$0x12] =	wrdreg s1;
	s17 =	simm.s32 $0x7;
	s18 =	simm.s32 $0x4  }
0x19: {  	v0 =	vand.u32 $0x7, v2;
	v2 =	vor.u32 $0x8, v2;
	v1 =	vmul.u32 $0x8, v1;
	s19 =	simm.s32 $0x8;
	s22 =	simm.s32 $0x180;
	s23 =	simm.s32 $0xC180  }
.LBB2_1:
0x1a: {  	s20 =	rddreg [dreg:$0x3];
	s30 =	simm.s32 $0x9  }
0x1b: {  	[tilespmem:s3], [sflag:$0x9] =	stream.linear.gather [hbm4b:s20+s3], $0x180, $0x38;
	[tilespmem:$0x18180] =	vst v63  }
0x1c: {  	_ =	swait.ge [sflag:s30], $0x180  }
0x1d: {  	[sflag:s30] =	ssyncset.done $0x0  }
0x1e: {  	[sflag:s30] =	ssyncadd.s32 $0xFFFFFE80  }
0x1f: {  	v3 =	vld [tilespmem:$0x0];
	_ =	sdelay $0x4  }
0x20: {  	v4 =	vshll.u32 v3, $0x3  }
0x21: {  	v3 =	vand.u32 $0x7, v3;
	v4 =	vand.u32 $0xFFFFFFC0, v4  }
0x22: {  	v3 =	vor.u32 v3, v4  }
0x23: {  	v4 =	vperm.xlane v3, v0;
	_ =	sdelay $0x1  }
0x24: {  	v4 =	vadd.s32 v1, v4;
	_ =	sdelay $0x4  }
0x25: {  	[tilespmem:s22], [sflag:$0x1] =	stream.indirect_vreg.gather [hbm4b:s2+s3], $0x80, v4, vm0, $0xb8;
	[tilespmem:$0x18180] =	vst v63  }
0x26: {  	s0 =	simm.s32 $0x980;
	v3 =	vperm.xlane v3, v2  }
0x27: {  	[tilespmem:s0], [sflag:$0x1] =	stream.indirect_vreg.gather [hbm4b:s5+s3], $0x80, v4, vm0, $0xb8;
	[tilespmem:$0x18180] =	vst v63  }
0x28: {  	s31 =	simm.s32 $0x1180;
	v3 =	vadd.s32 v1, v3  }
0x29: {  	[tilespmem:s31], [sflag:$0x1] =	stream.indirect_vreg.gather [hbm4b:s6+s3], $0x80, v4, vm0, $0xb8;
	[tilespmem:$0x18180] =	vst v63  }
0x2a: {  	s4 =	simm.s32 $0x1980  }
0x2b: {  	[tilespmem:s4], [sflag:$0x1] =	stream.indirect_vreg.gather [hbm4b:s7+s3], $0x80, v4, vm0, $0xb8;
	[tilespmem:$0x18180] =	vst v63  }
0x2c: {  	s10 =	simm.s32 $0x2180  }
0x2d: {  	[tilespmem:s10], [sflag:$0x1] =	stream.indirect_vreg.gather [hbm4b:s2+s3], $0x80, v3, vm0, $0xb8;
	[tilespmem:$0x18180] =	vst v63  }
0x2e: {  	s11 =	simm.s32 $0x2980  }
0x2f: {  	[tilespmem:s11], [sflag:$0x1] =	stream.indirect_vreg.gather [hbm4b:s5+s3], $0x80, v3, vm0, $0xb8;
	[tilespmem:$0x18180] =	vst v63  }
0x30: {  	s20 =	simm.s32 $0x3180  }
0x31: {  	[tilespmem:s20], [sflag:$0x1] =	stream.indirect_vreg.gather [hbm4b:s6+s3], $0x80, v3, vm0, $0xb8;
	[tilespmem:$0x18180] =	vst v63  }
0x32: {  	s21 =	simm.s32 $0x3980  }
0x33: {  	[tilespmem:s21], [sflag:$0x1] =	stream.indirect_vreg.gather [hbm4b:s7+s3], $0x80, v3, vm0, $0xb8;
	[tilespmem:$0x18180] =	vst v63  }
0x34: {  	v3 =	vld.msk [tilespmem:$0x10], $0xff;
	_ =	sdelay $0x4  }
0x35: {  	v33 =	vshll.u32 v3, $0x3  }
0x36: {  	v3 =	vand.u32 $0x7, v3;
	v4 =	vand.u32 $0xFFFFFFC0, v33  }
0x37: {  	v3 =	vor.u32 v3, v4  }
0x38: {  	v3 =	vperm.xlane v3, v0;
	_ =	sdelay $0x1  }
0x39: {  	v3 =	vadd.s32 v1, v3;
	_ =	sdelay $0x3  }
0x3a: {  	s28 =	simm.s32 $0x4180  }
0x3b: {  	[tilespmem:s28], [sflag:$0x1] =	stream.indirect_vreg.gather [hbm4b:s2+s3], $0x80, v3, vm0, $0xb8;
	[tilespmem:$0x18180] =	vst v63  }
0x3c: {  	s29 =	simm.s32 $0x4980  }
0x3d: {  	[tilespmem:s29], [sflag:$0x1] =	stream.indirect_vreg.gather [hbm4b:s5+s3], $0x80, v3, vm0, $0xb8;
	[tilespmem:$0x18180] =	vst v63  }
0x3e: {  	s10 =	simm.s32 $0x5180  }
0x3f: {  	[tilespmem:s10], [sflag:$0x1] =	stream.indirect_vreg.gather [hbm4b:s6+s3], $0x80, v3, vm0, $0xb8;
	[tilespmem:$0x18180] =	vst v63  }
0x40: {  	s20 =	simm.s32 $0x5980  }
0x41: {  	[tilespmem:s20], [sflag:$0x1] =	stream.indirect_vreg.gather [hbm4b:s7+s3], $0x80, v3, vm0, $0xb8;
	[tilespmem:$0x18180] =	vst v63  }
0x42: {  	v3 =	vld [tilespmem:$0x18];
	_ =	sdelay $0x4  }
0x43: {  	v34 =	vshll.u32 v3, $0x3  }
0x44: {  	v3 =	vand.u32 $0x7, v3;
	v4 =	vand.u32 $0xFFFFFFC0, v34  }
0x45: {  	v3 =	vor.u32 v3, v4  }
0x46: {  	v4 =	vperm.xlane v3, v0;
	_ =	sdelay $0x1  }
0x47: {  	v4 =	vadd.s32 v1, v4;
	_ =	sdelay $0x4  }
0x48: {  	[tilespmem:s9], [sflag:$0x2] =	stream.indirect_vreg.gather [hbm4b:s2+s3], $0x80, v4, vm0, $0xb8;
	[tilespmem:$0x18180] =	vst v63  }
0x49: {  	s29 =	simm.s32 $0x6980;
	v3 =	vperm.xlane v3, v2  }
0x4a: {  	[tilespmem:s29], [sflag:$0x2] =	stream.indirect_vreg.gather [hbm4b:s5+s3], $0x80, v4, vm0, $0xb8;
	[tilespmem:$0x18180] =	vst v63  }
0x4b: {  	s20 =	simm.s32 $0x7180;
	v3 =	vadd.s32 v1, v3  }
0x4c: {  	[tilespmem:s20], [sflag:$0x2] =	stream.indirect_vreg.gather [hbm4b:s6+s3], $0x80, v4, vm0, $0xb8;
	[tilespmem:$0x18180] =	vst v63  }
0x4d: {  	s29 =	simm.s32 $0x7980  }
0x4e: {  	[tilespmem:s29], [sflag:$0x2] =	stream.indirect_vreg.gather [hbm4b:s7+s3], $0x80, v4, vm0, $0xb8;
	[tilespmem:$0x18180] =	vst v63  }
0x4f: {  	s20 =	simm.s32 $0x8180  }
0x50: {  	[tilespmem:s20], [sflag:$0x2] =	stream.indirect_vreg.gather [hbm4b:s2+s3], $0x80, v3, vm0, $0xb8;
	[tilespmem:$0x18180] =	vst v63  }
0x51: {  	s29 =	simm.s32 $0x8980  }
0x52: {  	[tilespmem:s29], [sflag:$0x2] =	stream.indirect_vreg.gather [hbm4b:s5+s3], $0x80, v3, vm0, $0xb8;
	[tilespmem:$0x18180] =	vst v63  }
0x53: {  	s20 =	simm.s32 $0x9180  }
0x54: {  	[tilespmem:s20], [sflag:$0x2] =	stream.indirect_vreg.gather [hbm4b:s6+s3], $0x80, v3, vm0, $0xb8;
	[tilespmem:$0x18180] =	vst v63  }
0x55: {  	s29 =	simm.s32 $0x9980  }
0x56: {  	[tilespmem:s29], [sflag:$0x2] =	stream.indirect_vreg.gather [hbm4b:s7+s3], $0x80, v3, vm0, $0xb8;
	[tilespmem:$0x18180] =	vst v63  }
0x57: {  	v3 =	vld.msk [tilespmem:$0x28], $0xff;
	_ =	sdelay $0x4  }
0x58: {  	v35 =	vshll.u32 v3, $0x3  }
0x59: {  	v3 =	vand.u32 $0x7, v3;
	v4 =	vand.u32 $0xFFFFFFC0, v35  }
0x5a: {  	v3 =	vor.u32 v3, v4  }
0x5b: {  	v3 =	vperm.xlane v3, v0;
	_ =	sdelay $0x1  }
0x5c: {  	v3 =	vadd.s32 v1, v3;
	_ =	sdelay $0x3  }
0x5d: {  	s20 =	simm.s32 $0xA180  }
0x5e: {  	[tilespmem:s20], [sflag:$0x2] =	stream.indirect_vreg.gather [hbm4b:s2+s3], $0x80, v3, vm0, $0xb8;
	[tilespmem:$0x18180] =	vst v63  }
0x5f: {  	s20 =	simm.s32 $0xA980  }
0x60: {  	[tilespmem:s20], [sflag:$0x2] =	stream.indirect_vreg.gather [hbm4b:s5+s3], $0x80, v3, vm0, $0xb8;
	[tilespmem:$0x18180] =	vst v63  }
0x61: {  	s20 =	simm.s32 $0xB180  }
0x62: {  	[tilespmem:s20], [sflag:$0x2] =	stream.indirect_vreg.gather [hbm4b:s6+s3], $0x80, v3, vm0, $0xb8;
	[tilespmem:$0x18180] =	vst v63  }
0x63: {  	s20 =	simm.s32 $0xB980  }
0x64: {  	[tilespmem:s20], [sflag:$0x2] =	stream.indirect_vreg.gather [hbm4b:s7+s3], $0x80, v3, vm0, $0xb8;
	[tilespmem:$0x18180] =	vst v63  }
0x65: {  	v3 =	vld [tilespmem:$0x30];
	_ =	sdelay $0x4  }
0x66: {  	v36 =	vshll.u32 v3, $0x3  }
0x67: {  	v3 =	vand.u32 $0x7, v3;
	v4 =	vand.u32 $0xFFFFFFC0, v36  }
0x68: {  	v3 =	vor.u32 v3, v4  }
0x69: {  	v4 =	vperm.xlane v3, v0;
	_ =	sdelay $0x1  }
0x6a: {  	v4 =	vadd.s32 v1, v4;
	_ =	sdelay $0x4  }
0x6b: {  	[tilespmem:s23], [sflag:$0x3] =	stream.indirect_vreg.gather [hbm4b:s2+s3], $0x80, v4, vm0, $0xb8;
	[tilespmem:$0x18180] =	vst v63  }
0x6c: {  	s20 =	simm.s32 $0xC980;
	v3 =	vperm.xlane v3, v2  }
0x6d: {  	[tilespmem:s20], [sflag:$0x3] =	stream.indirect_vreg.gather [hbm4b:s5+s3], $0x80, v4, vm0, $0xb8;
	[tilespmem:$0x18180] =	vst v63  }
0x6e: {  	v3 =	vadd.s32 v1, v3;
	s20 =	simm.s32 $0xD180  }
0x6f: {  	[tilespmem:s20], [sflag:$0x3] =	stream.indirect_vreg.gather [hbm4b:s6+s3], $0x80, v4, vm0, $0xb8;
	[tilespmem:$0x18180] =	vst v63  }
0x70: {  	s20 =	simm.s32 $0xD980  }
0x71: {  	[tilespmem:s20], [sflag:$0x3] =	stream.indirect_vreg.gather [hbm4b:s7+s3], $0x80, v4, vm0, $0xb8;
	[tilespmem:$0x18180] =	vst v63  }
0x72: {  	s20 =	simm.s32 $0xE180  }
0x73: {  	[tilespmem:s20], [sflag:$0x3] =	stream.indirect_vreg.gather [hbm4b:s2+s3], $0x80, v3, vm0, $0xb8;
	[tilespmem:$0x18180] =	vst v63  }
0x74: {  	s20 =	simm.s32 $0xE980  }
0x75: {  	[tilespmem:s20], [sflag:$0x3] =	stream.indirect_vreg.gather [hbm4b:s5+s3], $0x80, v3, vm0, $0xb8;
	[tilespmem:$0x18180] =	vst v63  }
0x76: {  	s20 =	simm.s32 $0xF180  }
0x77: {  	[tilespmem:s20], [sflag:$0x3] =	stream.indirect_vreg.gather [hbm4b:s6+s3], $0x80, v3, vm0, $0xb8;
	[tilespmem:$0x18180] =	vst v63  }
0x78: {  	s20 =	simm.s32 $0xF980  }
0x79: {  	[tilespmem:s20], [sflag:$0x3] =	stream.indirect_vreg.gather [hbm4b:s7+s3], $0x80, v3, vm0, $0xb8;
	[tilespmem:$0x18180] =	vst v63  }
0x7a: {  	v3 =	vld.msk [tilespmem:$0x40], $0xff;
	_ =	sdelay $0x4  }
0x7b: {  	v37 =	vshll.u32 v3, $0x3  }
0x7c: {  	v3 =	vand.u32 $0x7, v3;
	v4 =	vand.u32 $0xFFFFFFC0, v37  }
0x7d: {  	v3 =	vor.u32 v3, v4  }
0x7e: {  	v3 =	vperm.xlane v3, v0;
	_ =	sdelay $0x1  }
0x7f: {  	v3 =	vadd.s32 v1, v3;
	_ =	sdelay $0x3  }
0x80: {  	s20 =	simm.s32 $0x10180  }
0x81: {  	[tilespmem:s20], [sflag:$0x3] =	stream.indirect_vreg.gather [hbm4b:s2+s3], $0x80, v3, vm0, $0xb8;
	[tilespmem:$0x18180] =	vst v63  }
0x82: {  	s20 =	simm.s32 $0x10980  }
0x83: {  	[tilespmem:s20], [sflag:$0x3] =	stream.indirect_vreg.gather [hbm4b:s5+s3], $0x80, v3, vm0, $0xb8;
	[tilespmem:$0x18180] =	vst v63  }
0x84: {  	s20 =	simm.s32 $0x11180  }
0x85: {  	[tilespmem:s20], [sflag:$0x3] =	stream.indirect_vreg.gather [hbm4b:s6+s3], $0x80, v3, vm0, $0xb8;
	[tilespmem:$0x18180] =	vst v63  }
0x86: {  	s20 =	simm.s32 $0x11980  }
0x87: {  	[tilespmem:s20], [sflag:$0x3] =	stream.indirect_vreg.gather [hbm4b:s7+s3], $0x80, v3, vm0, $0xb8;
	[tilespmem:$0x18180] =	vst v63  }
0x88: {  	v3 =	vld [tilespmem:$0x48];
	_ =	sdelay $0x4  }
0x89: {  	v38 =	vshll.u32 v3, $0x3  }
0x8a: {  	v3 =	vand.u32 $0x7, v3;
	v4 =	vand.u32 $0xFFFFFFC0, v38  }
0x8b: {  	v3 =	vor.u32 v3, v4  }
0x8c: {  	v4 =	vperm.xlane v3, v0;
	_ =	sdelay $0x1  }
0x8d: {  	v4 =	vadd.s32 v1, v4;
	_ =	sdelay $0x3  }
0x8e: {  	s0 =	simm.s32 $0x12180  }
0x8f: {  	[tilespmem:s0], [sflag:$0x4] =	stream.indirect_vreg.gather [hbm4b:s2+s3], $0x80, v4, vm0, $0xb8;
	[tilespmem:$0x18180] =	vst v63  }
0x90: {  	s20 =	simm.s32 $0x12980;
	v3 =	vperm.xlane v3, v2  }
0x91: {  	[tilespmem:s20], [sflag:$0x4] =	stream.indirect_vreg.gather [hbm4b:s5+s3], $0x80, v4, vm0, $0xb8;
	[tilespmem:$0x18180] =	vst v63  }
0x92: {  	v3 =	vadd.s32 v1, v3;
	s20 =	simm.s32 $0x13180  }
0x93: {  	[tilespmem:s20], [sflag:$0x4] =	stream.indirect_vreg.gather [hbm4b:s6+s3], $0x80, v4, vm0, $0xb8;
	[tilespmem:$0x18180] =	vst v63  }
0x94: {  	s20 =	simm.s32 $0x13980  }
0x95: {  	[tilespmem:s20], [sflag:$0x4] =	stream.indirect_vreg.gather [hbm4b:s7+s3], $0x80, v4, vm0, $0xb8;
	[tilespmem:$0x18180] =	vst v63  }
0x96: {  	s20 =	simm.s32 $0x14180  }
0x97: {  	[tilespmem:s20], [sflag:$0x4] =	stream.indirect_vreg.gather [hbm4b:s2+s3], $0x80, v3, vm0, $0xb8;
	[tilespmem:$0x18180] =	vst v63  }
0x98: {  	s20 =	simm.s32 $0x14980  }
0x99: {  	[tilespmem:s20], [sflag:$0x4] =	stream.indirect_vreg.gather [hbm4b:s5+s3], $0x80, v3, vm0, $0xb8;
	[tilespmem:$0x18180] =	vst v63  }
0x9a: {  	s20 =	simm.s32 $0x15180  }
0x9b: {  	[tilespmem:s20], [sflag:$0x4] =	stream.indirect_vreg.gather [hbm4b:s6+s3], $0x80, v3, vm0, $0xb8;
	[tilespmem:$0x18180] =	vst v63  }
0x9c: {  	s20 =	simm.s32 $0x15980  }
0x9d: {  	[tilespmem:s20], [sflag:$0x4] =	stream.indirect_vreg.gather [hbm4b:s7+s3], $0x80, v3, vm0, $0xb8;
	[tilespmem:$0x18180] =	vst v63  }
0x9e: {  	v3 =	vld.msk [tilespmem:$0x58], $0xff;
	_ =	sdelay $0x4  }
0x9f: {  	v39 =	vshll.u32 v3, $0x3  }
0xa0: {  	v3 =	vand.u32 $0x7, v3;
	v4 =	vand.u32 $0xFFFFFFC0, v39  }
0xa1: {  	v3 =	vor.u32 v3, v4  }
0xa2: {  	v3 =	vperm.xlane v3, v0;
	_ =	sdelay $0x1  }
0xa3: {  	v3 =	vadd.s32 v1, v3;
	_ =	sdelay $0x3  }
0xa4: {  	s20 =	simm.s32 $0x16180  }
0xa5: {  	[tilespmem:s20], [sflag:$0x4] =	stream.indirect_vreg.gather [hbm4b:s2+s3], $0x80, v3, vm0, $0xb8;
	[tilespmem:$0x18180] =	vst v63  }
0xa6: {  	s20 =	simm.s32 $0x16980  }
0xa7: {  	[tilespmem:s20], [sflag:$0x4] =	stream.indirect_vreg.gather [hbm4b:s5+s3], $0x80, v3, vm0, $0xb8;
	[tilespmem:$0x18180] =	vst v63  }
0xa8: {  	s20 =	simm.s32 $0x17180  }
0xa9: {  	[tilespmem:s20], [sflag:$0x4] =	stream.indirect_vreg.gather [hbm4b:s6+s3], $0x80, v3, vm0, $0xb8;
	[tilespmem:$0x18180] =	vst v63  }
0xaa: {  	s20 =	simm.s32 $0x17980  }
0xab: {  	[tilespmem:s20], [sflag:$0x4] =	stream.indirect_vreg.gather [hbm4b:s7+s3], $0x80, v3, vm0, $0xb8;
	[tilespmem:$0x18180] =	vst v63  }
0xac: {  	_ =	swait.ge [sflag:s12], $0x6000  }
0xad: {  	[sflag:s12] =	ssyncset.done $0x0  }
0xae: {  	s20 =	rddreg [dreg:$0x13];
	[sflag:s12] =	ssyncadd.s32 $0xFFFFA000  }
0xaf: {  	[hbm4b:s20+s3] =	stream.linear.scatter [tilespmem:s22], [sflag:$0x5], $0x6000, $0x38;
	[tilespmem:$0x18180] =	vst v63  }
0xb0: {  	_ =	swait.ge [sflag:s13], $0x6000  }
0xb1: {  	[sflag:s13] =	ssyncset.done $0x0  }
0xb2: {  	[sflag:s13] =	ssyncadd.s32 $0xFFFFA000  }
0xb3: {  	v3 =	vld [tilespmem:$0x60];
	_ =	sdelay $0x4  }
0xb4: {  	v40 =	vshll.u32 v3, $0x3  }
0xb5: {  	v3 =	vand.u32 $0x7, v3;
	v4 =	vand.u32 $0xFFFFFFC0, v40  }
0xb6: {  	v3 =	vor.u32 v3, v4  }
0xb7: {  	v4 =	vperm.xlane v3, v0;
	_ =	sdelay $0x1  }
0xb8: {  	v4 =	vadd.s32 v1, v4;
	_ =	sdelay $0x4  }
0xb9: {  	[tilespmem:s22], [sflag:$0x1] =	stream.indirect_vreg.gather [hbm4b:s2+s3], $0x80, v4, vm0, $0xb8;
	[tilespmem:$0x18180] =	vst v63  }
0xba: {  	s1 =	simm.s32 $0x980;
	v3 =	vperm.xlane v3, v2  }
0xbb: {  	[tilespmem:s1], [sflag:$0x1] =	stream.indirect_vreg.gather [hbm4b:s5+s3], $0x80, v4, vm0, $0xb8;
	[tilespmem:$0x18180] =	vst v63  }
0xbc: {  	s24 =	simm.s32 $0x1180;
	v3 =	vadd.s32 v1, v3  }
0xbd: {  	[tilespmem:s24], [sflag:$0x1] =	stream.indirect_vreg.gather [hbm4b:s6+s3], $0x80, v4, vm0, $0xb8;
	[tilespmem:$0x18180] =	vst v63  }
0xbe: {  	s31 =	simm.s32 $0x1980  }
0xbf: {  	[tilespmem:s31], [sflag:$0x1] =	stream.indirect_vreg.gather [hbm4b:s7+s3], $0x80, v4, vm0, $0xb8;
	[tilespmem:$0x18180] =	vst v63  }
0xc0: {  	s25 =	simm.s32 $0x2180  }
0xc1: {  	[tilespmem:s25], [sflag:$0x1] =	stream.indirect_vreg.gather [hbm4b:s2+s3], $0x80, v3, vm0, $0xb8;
	[tilespmem:$0x18180] =	vst v63  }
0xc2: {  	s30 =	simm.s32 $0x2980  }
0xc3: {  	[tilespmem:s30], [sflag:$0x1] =	stream.indirect_vreg.gather [hbm4b:s5+s3], $0x80, v3, vm0, $0xb8;
	[tilespmem:$0x18180] =	vst v63  }
0xc4: {  	s26 =	simm.s32 $0x3180  }
0xc5: {  	[tilespmem:s26], [sflag:$0x1] =	stream.indirect_vreg.gather [hbm4b:s6+s3], $0x80, v3, vm0, $0xb8;
	[tilespmem:$0x18180] =	vst v63  }
0xc6: {  	s4 =	simm.s32 $0x3980  }
0xc7: {  	[tilespmem:s4], [sflag:$0x1] =	stream.indirect_vreg.gather [hbm4b:s7+s3], $0x80, v3, vm0, $0xb8;
	[tilespmem:$0x18180] =	vst v63  }
0xc8: {  	v3 =	vld.msk [tilespmem:$0x70], $0xff;
	_ =	sdelay $0x4  }
0xc9: {  	v41 =	vshll.u32 v3, $0x3  }
0xca: {  	v3 =	vand.u32 $0x7, v3;
	v4 =	vand.u32 $0xFFFFFFC0, v41  }
0xcb: {  	v3 =	vor.u32 v3, v4  }
0xcc: {  	v3 =	vperm.xlane v3, v0;
	_ =	sdelay $0x1  }
0xcd: {  	v3 =	vadd.s32 v1, v3;
	_ =	sdelay $0x3  }
0xce: {  	s28 =	simm.s32 $0x4180  }
0xcf: {  	[tilespmem:s28], [sflag:$0x1] =	stream.indirect_vreg.gather [hbm4b:s2+s3], $0x80, v3, vm0, $0xb8;
	[tilespmem:$0x18180] =	vst v63  }
0xd0: {  	s11 =	simm.s32 $0x4980  }
0xd1: {  	[tilespmem:s11], [sflag:$0x1] =	stream.indirect_vreg.gather [hbm4b:s5+s3], $0x80, v3, vm0, $0xb8;
	[tilespmem:$0x18180] =	vst v63  }
0xd2: {  	s21 =	simm.s32 $0x5180  }
0xd3: {  	[tilespmem:s21], [sflag:$0x1] =	stream.indirect_vreg.gather [hbm4b:s6+s3], $0x80, v3, vm0, $0xb8;
	[tilespmem:$0x18180] =	vst v63  }
0xd4: {  	s10 =	simm.s32 $0x5980  }
0xd5: {  	[tilespmem:s10], [sflag:$0x1] =	stream.indirect_vreg.gather [hbm4b:s7+s3], $0x80, v3, vm0, $0xb8;
	[tilespmem:$0x18180] =	vst v63  }
0xd6: {  	_ =	swait.ge [sflag:s14], $0x6000  }
0xd7: {  	[sflag:s14] =	ssyncset.done $0x0  }
0xd8: {  	s4 =	rddreg [dreg:$0x4];
	[sflag:s14] =	ssyncadd.s32 $0xFFFFA000  }
0xd9: {  	[hbm4b:s4+s3] =	stream.linear.scatter [tilespmem:s9], [sflag:$0x6], $0x6000, $0x38;
	[tilespmem:$0x18180] =	vst v63  }
0xda: {  	_ =	swait.ge [sflag:s15], $0x6000  }
0xdb: {  	[sflag:s15] =	ssyncset.done $0x0  }
0xdc: {  	[sflag:s15] =	ssyncadd.s32 $0xFFFFA000  }
0xdd: {  	v3 =	vld [tilespmem:$0x78];
	_ =	sdelay $0x4  }
0xde: {  	v42 =	vshll.u32 v3, $0x3  }
0xdf: {  	v3 =	vand.u32 $0x7, v3;
	v4 =	vand.u32 $0xFFFFFFC0, v42  }
0xe0: {  	v3 =	vor.u32 v3, v4  }
0xe1: {  	v4 =	vperm.xlane v3, v0;
	_ =	sdelay $0x1  }
0xe2: {  	v4 =	vadd.s32 v1, v4;
	_ =	sdelay $0x4  }
0xe3: {  	[tilespmem:s9], [sflag:$0x2] =	stream.indirect_vreg.gather [hbm4b:s2+s3], $0x80, v4, vm0, $0xb8;
	[tilespmem:$0x18180] =	vst v63  }
0xe4: {  	s10 =	simm.s32 $0x6980;
	v3 =	vperm.xlane v3, v2  }
0xe5: {  	[tilespmem:s10], [sflag:$0x2] =	stream.indirect_vreg.gather [hbm4b:s5+s3], $0x80, v4, vm0, $0xb8;
	[tilespmem:$0x18180] =	vst v63  }
0xe6: {  	s11 =	simm.s32 $0x7180;
	v3 =	vadd.s32 v1, v3  }
0xe7: {  	[tilespmem:s11], [sflag:$0x2] =	stream.indirect_vreg.gather [hbm4b:s6+s3], $0x80, v4, vm0, $0xb8;
	[tilespmem:$0x18180] =	vst v63  }
0xe8: {  	s20 =	simm.s32 $0x7980  }
0xe9: {  	[tilespmem:s20], [sflag:$0x2] =	stream.indirect_vreg.gather [hbm4b:s7+s3], $0x80, v4, vm0, $0xb8;
	[tilespmem:$0x18180] =	vst v63  }
0xea: {  	s21 =	simm.s32 $0x8180  }
0xeb: {  	[tilespmem:s21], [sflag:$0x2] =	stream.indirect_vreg.gather [hbm4b:s2+s3], $0x80, v3, vm0, $0xb8;
	[tilespmem:$0x18180] =	vst v63  }
0xec: {  	s24 =	simm.s32 $0x8980  }
0xed: {  	[tilespmem:s24], [sflag:$0x2] =	stream.indirect_vreg.gather [hbm4b:s5+s3], $0x80, v3, vm0, $0xb8;
	[tilespmem:$0x18180] =	vst v63  }
0xee: {  	s25 =	simm.s32 $0x9180  }
0xef: {  	[tilespmem:s25], [sflag:$0x2] =	stream.indirect_vreg.gather [hbm4b:s6+s3], $0x80, v3, vm0, $0xb8;
	[tilespmem:$0x18180] =	vst v63  }
0xf0: {  	s29 =	simm.s32 $0x9980  }
0xf1: {  	[tilespmem:s29], [sflag:$0x2] =	stream.indirect_vreg.gather [hbm4b:s7+s3], $0x80, v3, vm0, $0xb8;
	[tilespmem:$0x18180] =	vst v63  }
0xf2: {  	v3 =	vld.msk [tilespmem:$0x88], $0xff;
	_ =	sdelay $0x4  }
0xf3: {  	v43 =	vshll.u32 v3, $0x3  }
0xf4: {  	v3 =	vand.u32 $0x7, v3;
	v4 =	vand.u32 $0xFFFFFFC0, v43  }
0xf5: {  	v3 =	vor.u32 v3, v4  }
0xf6: {  	v3 =	vperm.xlane v3, v0;
	_ =	sdelay $0x1  }
0xf7: {  	v3 =	vadd.s32 v1, v3;
	_ =	sdelay $0x3  }
0xf8: {  	s31 =	simm.s32 $0xA180  }
0xf9: {  	[tilespmem:s31], [sflag:$0x2] =	stream.indirect_vreg.gather [hbm4b:s2+s3], $0x80, v3, vm0, $0xb8;
	[tilespmem:$0x18180] =	vst v63  }
0xfa: {  	s11 =	simm.s32 $0xA980  }
0xfb: {  	[tilespmem:s11], [sflag:$0x2] =	stream.indirect_vreg.gather [hbm4b:s5+s3], $0x80, v3, vm0, $0xb8;
	[tilespmem:$0x18180] =	vst v63  }
0xfc: {  	s21 =	simm.s32 $0xB180  }
0xfd: {  	[tilespmem:s21], [sflag:$0x2] =	stream.indirect_vreg.gather [hbm4b:s6+s3], $0x80, v3, vm0, $0xb8;
	[tilespmem:$0x18180] =	vst v63  }
0xfe: {  	s24 =	simm.s32 $0xB980  }
0xff: {  	[tilespmem:s24], [sflag:$0x2] =	stream.indirect_vreg.gather [hbm4b:s7+s3], $0x80, v3, vm0, $0xb8;
	[tilespmem:$0x18180] =	vst v63  }
0x100: {  	_ =	swait.ge [sflag:s16], $0x6000  }
0x101: {  	[sflag:s16] =	ssyncset.done $0x0  }
0x102: {  	s26 =	rddreg [dreg:$0x5];
	[sflag:s16] =	ssyncadd.s32 $0xFFFFA000  }
0x103: {  	[hbm4b:s26+s3] =	stream.linear.scatter [tilespmem:s23], [sflag:$0x7], $0x6000, $0x38;
	[tilespmem:$0x18180] =	vst v63  }
0x104: {  	_ =	swait.ge [sflag:s17], $0x6000  }
0x105: {  	[sflag:s17] =	ssyncset.done $0x0  }
0x106: {  	[sflag:s17] =	ssyncadd.s32 $0xFFFFA000  }
0x107: {  	v3 =	vld [tilespmem:$0x90];
	_ =	sdelay $0x4  }
0x108: {  	v44 =	vshll.u32 v3, $0x3  }
0x109: {  	v3 =	vand.u32 $0x7, v3;
	v4 =	vand.u32 $0xFFFFFFC0, v44  }
0x10a: {  	v3 =	vor.u32 v3, v4  }
0x10b: {  	v4 =	vperm.xlane v3, v0;
	_ =	sdelay $0x1  }
0x10c: {  	v4 =	vadd.s32 v1, v4;
	_ =	sdelay $0x4  }
0x10d: {  	[tilespmem:s23], [sflag:$0x3] =	stream.indirect_vreg.gather [hbm4b:s2+s3], $0x80, v4, vm0, $0xb8;
	[tilespmem:$0x18180] =	vst v63  }
0x10e: {  	s28 =	simm.s32 $0xC980;
	v3 =	vperm.xlane v3, v2  }
0x10f: {  	[tilespmem:s28], [sflag:$0x3] =	stream.indirect_vreg.gather [hbm4b:s5+s3], $0x80, v4, vm0, $0xb8;
	[tilespmem:$0x18180] =	vst v63  }
0x110: {  	s30 =	simm.s32 $0xD180;
	v3 =	vadd.s32 v1, v3  }
0x111: {  	[tilespmem:s30], [sflag:$0x3] =	stream.indirect_vreg.gather [hbm4b:s6+s3], $0x80, v4, vm0, $0xb8;
	[tilespmem:$0x18180] =	vst v63  }
0x112: {  	s1 =	simm.s32 $0xD980  }
0x113: {  	[tilespmem:s1], [sflag:$0x3] =	stream.indirect_vreg.gather [hbm4b:s7+s3], $0x80, v4, vm0, $0xb8;
	[tilespmem:$0x18180] =	vst v63  }
0x114: {  	s4 =	simm.s32 $0xE180  }
0x115: {  	[tilespmem:s4], [sflag:$0x3] =	stream.indirect_vreg.gather [hbm4b:s2+s3], $0x80, v3, vm0, $0xb8;
	[tilespmem:$0x18180] =	vst v63  }
0x116: {  	s10 =	simm.s32 $0xE980  }
0x117: {  	[tilespmem:s10], [sflag:$0x3] =	stream.indirect_vreg.gather [hbm4b:s5+s3], $0x80, v3, vm0, $0xb8;
	[tilespmem:$0x18180] =	vst v63  }
0x118: {  	s25 =	simm.s32 $0xF180  }
0x119: {  	[tilespmem:s25], [sflag:$0x3] =	stream.indirect_vreg.gather [hbm4b:s6+s3], $0x80, v3, vm0, $0xb8;
	[tilespmem:$0x18180] =	vst v63  }
0x11a: {  	s29 =	simm.s32 $0xF980  }
0x11b: {  	[tilespmem:s29], [sflag:$0x3] =	stream.indirect_vreg.gather [hbm4b:s7+s3], $0x80, v3, vm0, $0xb8;
	[tilespmem:$0x18180] =	vst v63  }
0x11c: {  	v3 =	vld.msk [tilespmem:$0xA0], $0xff;
	_ =	sdelay $0x4  }
0x11d: {  	v45 =	vshll.u32 v3, $0x3  }
0x11e: {  	v3 =	vand.u32 $0x7, v3;
	v4 =	vand.u32 $0xFFFFFFC0, v45  }
0x11f: {  	v3 =	vor.u32 v3, v4  }
0x120: {  	v3 =	vperm.xlane v3, v0;
	_ =	sdelay $0x1  }
0x121: {  	v3 =	vadd.s32 v1, v3;
	_ =	sdelay $0x3  }
0x122: {  	s26 =	simm.s32 $0x10180  }
0x123: {  	[tilespmem:s26], [sflag:$0x3] =	stream.indirect_vreg.gather [hbm4b:s2+s3], $0x80, v3, vm0, $0xb8;
	[tilespmem:$0x18180] =	vst v63  }
0x124: {  	s28 =	simm.s32 $0x10980  }
0x125: {  	[tilespmem:s28], [sflag:$0x3] =	stream.indirect_vreg.gather [hbm4b:s5+s3], $0x80, v3, vm0, $0xb8;
	[tilespmem:$0x18180] =	vst v63  }
0x126: {  	s29 =	simm.s32 $0x11180  }
0x127: {  	[tilespmem:s29], [sflag:$0x3] =	stream.indirect_vreg.gather [hbm4b:s6+s3], $0x80, v3, vm0, $0xb8;
	[tilespmem:$0x18180] =	vst v63  }
0x128: {  	s20 =	simm.s32 $0x11980  }
0x129: {  	[tilespmem:s20], [sflag:$0x3] =	stream.indirect_vreg.gather [hbm4b:s7+s3], $0x80, v3, vm0, $0xb8;
	[tilespmem:$0x18180] =	vst v63  }
0x12a: {  	_ =	swait.ge [sflag:s18], $0x6000  }
0x12b: {  	[sflag:s18] =	ssyncset.done $0x0  }
0x12c: {  	s20 =	rddreg [dreg:$0x6];
	[sflag:s18] =	ssyncadd.s32 $0xFFFFA000  }
0x12d: {  	[hbm4b:s20+s3] =	stream.linear.scatter [tilespmem:s0], [sflag:$0x8], $0x6000, $0x38;
	[tilespmem:$0x18180] =	vst v63  }
0x12e: {  	_ =	swait.ge [sflag:s19], $0x6000  }
0x12f: {  	[sflag:s19] =	ssyncset.done $0x0  }
0x130: {  	[sflag:s19] =	ssyncadd.s32 $0xFFFFA000  }
0x131: {  	v3 =	vld [tilespmem:$0xA8];
	_ =	sdelay $0x4  }
0x132: {  	v46 =	vshll.u32 v3, $0x3  }
0x133: {  	v3 =	vand.u32 $0x7, v3;
	v4 =	vand.u32 $0xFFFFFFC0, v46  }
0x134: {  	v3 =	vor.u32 v3, v4  }
0x135: {  	v4 =	vperm.xlane v3, v0;
	_ =	sdelay $0x1  }
0x136: {  	v4 =	vadd.s32 v1, v4;
	_ =	sdelay $0x4  }
0x137: {  	[tilespmem:s0], [sflag:$0x4] =	stream.indirect_vreg.gather [hbm4b:s2+s3], $0x80, v4, vm0, $0xb8;
	[tilespmem:$0x18180] =	vst v63  }
0x138: {  	s20 =	simm.s32 $0x12980;
	v3 =	vperm.xlane v3, v2  }
0x139: {  	[tilespmem:s20], [sflag:$0x4] =	stream.indirect_vreg.gather [hbm4b:s5+s3], $0x80, v4, vm0, $0xb8;
	[tilespmem:$0x18180] =	vst v63  }
0x13a: {  	v3 =	vadd.s32 v1, v3;
	s20 =	simm.s32 $0x13180  }
0x13b: {  	[tilespmem:s20], [sflag:$0x4] =	stream.indirect_vreg.gather [hbm4b:s6+s3], $0x80, v4, vm0, $0xb8;
	[tilespmem:$0x18180] =	vst v63  }
0x13c: {  	s20 =	simm.s32 $0x13980  }
0x13d: {  	[tilespmem:s20], [sflag:$0x4] =	stream.indirect_vreg.gather [hbm4b:s7+s3], $0x80, v4, vm0, $0xb8;
	[tilespmem:$0x18180] =	vst v63  }
0x13e: {  	s20 =	simm.s32 $0x14180  }
0x13f: {  	[tilespmem:s20], [sflag:$0x4] =	stream.indirect_vreg.gather [hbm4b:s2+s3], $0x80, v3, vm0, $0xb8;
	[tilespmem:$0x18180] =	vst v63  }
0x140: {  	s20 =	simm.s32 $0x14980  }
0x141: {  	[tilespmem:s20], [sflag:$0x4] =	stream.indirect_vreg.gather [hbm4b:s5+s3], $0x80, v3, vm0, $0xb8;
	[tilespmem:$0x18180] =	vst v63  }
0x142: {  	s20 =	simm.s32 $0x15180  }
0x143: {  	[tilespmem:s20], [sflag:$0x4] =	stream.indirect_vreg.gather [hbm4b:s6+s3], $0x80, v3, vm0, $0xb8;
	[tilespmem:$0x18180] =	vst v63  }
0x144: {  	s20 =	simm.s32 $0x15980  }
0x145: {  	[tilespmem:s20], [sflag:$0x4] =	stream.indirect_vreg.gather [hbm4b:s7+s3], $0x80, v3, vm0, $0xb8;
	[tilespmem:$0x18180] =	vst v63  }
0x146: {  	v3 =	vld.msk [tilespmem:$0xB8], $0xff;
	_ =	sdelay $0x4  }
0x147: {  	v47 =	vshll.u32 v3, $0x3  }
0x148: {  	v3 =	vand.u32 $0x7, v3;
	v4 =	vand.u32 $0xFFFFFFC0, v47  }
0x149: {  	v3 =	vor.u32 v3, v4  }
0x14a: {  	v3 =	vperm.xlane v3, v0;
	_ =	sdelay $0x1  }
0x14b: {  	v3 =	vadd.s32 v1, v3;
	_ =	sdelay $0x3  }
0x14c: {  	s20 =	simm.s32 $0x16180  }
0x14d: {  	[tilespmem:s20], [sflag:$0x4] =	stream.indirect_vreg.gather [hbm4b:s2+s3], $0x80, v3, vm0, $0xb8;
	[tilespmem:$0x18180] =	vst v63  }
0x14e: {  	s20 =	simm.s32 $0x16980  }
0x14f: {  	[tilespmem:s20], [sflag:$0x4] =	stream.indirect_vreg.gather [hbm4b:s5+s3], $0x80, v3, vm0, $0xb8;
	[tilespmem:$0x18180] =	vst v63  }
0x150: {  	s20 =	simm.s32 $0x17180  }
0x151: {  	[tilespmem:s20], [sflag:$0x4] =	stream.indirect_vreg.gather [hbm4b:s6+s3], $0x80, v3, vm0, $0xb8;
	[tilespmem:$0x18180] =	vst v63  }
0x152: {  	s20 =	simm.s32 $0x17980  }
0x153: {  	[tilespmem:s20], [sflag:$0x4] =	stream.indirect_vreg.gather [hbm4b:s7+s3], $0x80, v3, vm0, $0xb8;
	[tilespmem:$0x18180] =	vst v63  }
0x154: {  	_ =	swait.ge [sflag:s12], $0x6000  }
0x155: {  	[sflag:s12] =	ssyncset.done $0x0  }
0x156: {  	s20 =	rddreg [dreg:$0x7];
	[sflag:s12] =	ssyncadd.s32 $0xFFFFA000  }
0x157: {  	[hbm4b:s20+s3] =	stream.linear.scatter [tilespmem:s22], [sflag:$0x5], $0x6000, $0x38;
	[tilespmem:$0x18180] =	vst v63  }
0x158: {  	_ =	swait.ge [sflag:s13], $0x6000  }
0x159: {  	[sflag:s13] =	ssyncset.done $0x0  }
0x15a: {  	[sflag:s13] =	ssyncadd.s32 $0xFFFFA000  }
0x15b: {  	v3 =	vld [tilespmem:$0xC0];
	_ =	sdelay $0x4  }
0x15c: {  	v48 =	vshll.u32 v3, $0x3  }
0x15d: {  	v3 =	vand.u32 $0x7, v3;
	v4 =	vand.u32 $0xFFFFFFC0, v48  }
0x15e: {  	v3 =	vor.u32 v3, v4  }
0x15f: {  	v4 =	vperm.xlane v3, v0;
	_ =	sdelay $0x1  }
0x160: {  	v4 =	vadd.s32 v1, v4;
	_ =	sdelay $0x4  }
0x161: {  	[tilespmem:s22], [sflag:$0x1] =	stream.indirect_vreg.gather [hbm4b:s2+s3], $0x80, v4, vm0, $0xb8;
	[tilespmem:$0x18180] =	vst v63  }
0x162: {  	s20 =	simm.s32 $0x980;
	v3 =	vperm.xlane v3, v2  }
0x163: {  	[tilespmem:s20], [sflag:$0x1] =	stream.indirect_vreg.gather [hbm4b:s5+s3], $0x80, v4, vm0, $0xb8;
	[tilespmem:$0x18180] =	vst v63  }
0x164: {  	v3 =	vadd.s32 v1, v3;
	s20 =	simm.s32 $0x1180  }
0x165: {  	[tilespmem:s20], [sflag:$0x1] =	stream.indirect_vreg.gather [hbm4b:s6+s3], $0x80, v4, vm0, $0xb8;
	[tilespmem:$0x18180] =	vst v63  }
0x166: {  	s20 =	simm.s32 $0x1980  }
0x167: {  	[tilespmem:s20], [sflag:$0x1] =	stream.indirect_vreg.gather [hbm4b:s7+s3], $0x80, v4, vm0, $0xb8;
	[tilespmem:$0x18180] =	vst v63  }
0x168: {  	s20 =	simm.s32 $0x2180  }
0x169: {  	[tilespmem:s20], [sflag:$0x1] =	stream.indirect_vreg.gather [hbm4b:s2+s3], $0x80, v3, vm0, $0xb8;
	[tilespmem:$0x18180] =	vst v63  }
0x16a: {  	s20 =	simm.s32 $0x2980  }
0x16b: {  	[tilespmem:s20], [sflag:$0x1] =	stream.indirect_vreg.gather [hbm4b:s5+s3], $0x80, v3, vm0, $0xb8;
	[tilespmem:$0x18180] =	vst v63  }
0x16c: {  	s20 =	simm.s32 $0x3180  }
0x16d: {  	[tilespmem:s20], [sflag:$0x1] =	stream.indirect_vreg.gather [hbm4b:s6+s3], $0x80, v3, vm0, $0xb8;
	[tilespmem:$0x18180] =	vst v63  }
0x16e: {  	s20 =	simm.s32 $0x3980  }
0x16f: {  	[tilespmem:s20], [sflag:$0x1] =	stream.indirect_vreg.gather [hbm4b:s7+s3], $0x80, v3, vm0, $0xb8;
	[tilespmem:$0x18180] =	vst v63  }
0x170: {  	v3 =	vld.msk [tilespmem:$0xD0], $0xff;
	_ =	sdelay $0x4  }
0x171: {  	v49 =	vshll.u32 v3, $0x3  }
0x172: {  	v3 =	vand.u32 $0x7, v3;
	v4 =	vand.u32 $0xFFFFFFC0, v49  }
0x173: {  	v3 =	vor.u32 v3, v4  }
0x174: {  	v3 =	vperm.xlane v3, v0;
	_ =	sdelay $0x1  }
0x175: {  	v3 =	vadd.s32 v1, v3;
	_ =	sdelay $0x3  }
0x176: {  	s20 =	simm.s32 $0x4180  }
0x177: {  	[tilespmem:s20], [sflag:$0x1] =	stream.indirect_vreg.gather [hbm4b:s2+s3], $0x80, v3, vm0, $0xb8;
	[tilespmem:$0x18180] =	vst v63  }
0x178: {  	s20 =	simm.s32 $0x4980  }
0x179: {  	[tilespmem:s20], [sflag:$0x1] =	stream.indirect_vreg.gather [hbm4b:s5+s3], $0x80, v3, vm0, $0xb8;
	[tilespmem:$0x18180] =	vst v63  }
0x17a: {  	s20 =	simm.s32 $0x5180  }
0x17b: {  	[tilespmem:s20], [sflag:$0x1] =	stream.indirect_vreg.gather [hbm4b:s6+s3], $0x80, v3, vm0, $0xb8;
	[tilespmem:$0x18180] =	vst v63  }
0x17c: {  	s20 =	simm.s32 $0x5980  }
0x17d: {  	[tilespmem:s20], [sflag:$0x1] =	stream.indirect_vreg.gather [hbm4b:s7+s3], $0x80, v3, vm0, $0xb8;
	[tilespmem:$0x18180] =	vst v63  }
0x17e: {  	_ =	swait.ge [sflag:s14], $0x6000  }
0x17f: {  	[sflag:s14] =	ssyncset.done $0x0  }
0x180: {  	s20 =	rddreg [dreg:$0x8];
	[sflag:s14] =	ssyncadd.s32 $0xFFFFA000  }
0x181: {  	[hbm4b:s20+s3] =	stream.linear.scatter [tilespmem:s9], [sflag:$0x6], $0x6000, $0x38;
	[tilespmem:$0x18180] =	vst v63  }
0x182: {  	_ =	swait.ge [sflag:s15], $0x6000  }
0x183: {  	[sflag:s15] =	ssyncset.done $0x0  }
0x184: {  	[sflag:s15] =	ssyncadd.s32 $0xFFFFA000  }
0x185: {  	v3 =	vld [tilespmem:$0xD8];
	_ =	sdelay $0x4  }
0x186: {  	v50 =	vshll.u32 v3, $0x3  }
0x187: {  	v3 =	vand.u32 $0x7, v3;
	v4 =	vand.u32 $0xFFFFFFC0, v50  }
0x188: {  	v3 =	vor.u32 v3, v4  }
0x189: {  	v4 =	vperm.xlane v3, v0;
	_ =	sdelay $0x1  }
0x18a: {  	v4 =	vadd.s32 v1, v4;
	_ =	sdelay $0x4  }
0x18b: {  	[tilespmem:s9], [sflag:$0x2] =	stream.indirect_vreg.gather [hbm4b:s2+s3], $0x80, v4, vm0, $0xb8;
	[tilespmem:$0x18180] =	vst v63  }
0x18c: {  	s20 =	simm.s32 $0x6980;
	v3 =	vperm.xlane v3, v2  }
0x18d: {  	[tilespmem:s20], [sflag:$0x2] =	stream.indirect_vreg.gather [hbm4b:s5+s3], $0x80, v4, vm0, $0xb8;
	[tilespmem:$0x18180] =	vst v63  }
0x18e: {  	v3 =	vadd.s32 v1, v3;
	s20 =	simm.s32 $0x7180  }
0x18f: {  	[tilespmem:s20], [sflag:$0x2] =	stream.indirect_vreg.gather [hbm4b:s6+s3], $0x80, v4, vm0, $0xb8;
	[tilespmem:$0x18180] =	vst v63  }
0x190: {  	s20 =	simm.s32 $0x7980  }
0x191: {  	[tilespmem:s20], [sflag:$0x2] =	stream.indirect_vreg.gather [hbm4b:s7+s3], $0x80, v4, vm0, $0xb8;
	[tilespmem:$0x18180] =	vst v63  }
0x192: {  	s20 =	simm.s32 $0x8180  }
0x193: {  	[tilespmem:s20], [sflag:$0x2] =	stream.indirect_vreg.gather [hbm4b:s2+s3], $0x80, v3, vm0, $0xb8;
	[tilespmem:$0x18180] =	vst v63  }
0x194: {  	s20 =	simm.s32 $0x8980  }
0x195: {  	[tilespmem:s20], [sflag:$0x2] =	stream.indirect_vreg.gather [hbm4b:s5+s3], $0x80, v3, vm0, $0xb8;
	[tilespmem:$0x18180] =	vst v63  }
0x196: {  	s20 =	simm.s32 $0x9180  }
0x197: {  	[tilespmem:s20], [sflag:$0x2] =	stream.indirect_vreg.gather [hbm4b:s6+s3], $0x80, v3, vm0, $0xb8;
	[tilespmem:$0x18180] =	vst v63  }
0x198: {  	s20 =	simm.s32 $0x9980  }
0x199: {  	[tilespmem:s20], [sflag:$0x2] =	stream.indirect_vreg.gather [hbm4b:s7+s3], $0x80, v3, vm0, $0xb8;
	[tilespmem:$0x18180] =	vst v63  }
0x19a: {  	v3 =	vld.msk [tilespmem:$0xE8], $0xff;
	_ =	sdelay $0x4  }
0x19b: {  	v51 =	vshll.u32 v3, $0x3  }
0x19c: {  	v3 =	vand.u32 $0x7, v3;
	v4 =	vand.u32 $0xFFFFFFC0, v51  }
0x19d: {  	v3 =	vor.u32 v3, v4  }
0x19e: {  	v3 =	vperm.xlane v3, v0;
	_ =	sdelay $0x1  }
0x19f: {  	v3 =	vadd.s32 v1, v3;
	_ =	sdelay $0x4  }
0x1a0: {  	[tilespmem:s31], [sflag:$0x2] =	stream.indirect_vreg.gather [hbm4b:s2+s3], $0x80, v3, vm0, $0xb8;
	[tilespmem:$0x18180] =	vst v63  }
0x1a1: {  	_ = 	snop  }
0x1a2: {  	[tilespmem:s11], [sflag:$0x2] =	stream.indirect_vreg.gather [hbm4b:s5+s3], $0x80, v3, vm0, $0xb8;
	[tilespmem:$0x18180] =	vst v63  }
0x1a3: {  	_ = 	snop  }
0x1a4: {  	[tilespmem:s21], [sflag:$0x2] =	stream.indirect_vreg.gather [hbm4b:s6+s3], $0x80, v3, vm0, $0xb8;
	[tilespmem:$0x18180] =	vst v63  }
0x1a5: {  	_ = 	snop  }
0x1a6: {  	[tilespmem:s24], [sflag:$0x2] =	stream.indirect_vreg.gather [hbm4b:s7+s3], $0x80, v3, vm0, $0xb8;
	[tilespmem:$0x18180] =	vst v63  }
0x1a7: {  	_ =	swait.ge [sflag:s16], $0x6000  }
0x1a8: {  	[sflag:s16] =	ssyncset.done $0x0  }
0x1a9: {  	s20 =	rddreg [dreg:$0x9];
	[sflag:s16] =	ssyncadd.s32 $0xFFFFA000  }
0x1aa: {  	[hbm4b:s20+s3] =	stream.linear.scatter [tilespmem:s23], [sflag:$0x7], $0x6000, $0x38;
	[tilespmem:$0x18180] =	vst v63  }
0x1ab: {  	_ =	swait.ge [sflag:s17], $0x6000  }
0x1ac: {  	[sflag:s17] =	ssyncset.done $0x0  }
0x1ad: {  	[sflag:s17] =	ssyncadd.s32 $0xFFFFA000  }
0x1ae: {  	v3 =	vld [tilespmem:$0xF0];
	_ =	sdelay $0x4  }
0x1af: {  	v52 =	vshll.u32 v3, $0x3  }
0x1b0: {  	v3 =	vand.u32 $0x7, v3;
	v4 =	vand.u32 $0xFFFFFFC0, v52  }
0x1b1: {  	v3 =	vor.u32 v3, v4  }
0x1b2: {  	v4 =	vperm.xlane v3, v0;
	_ =	sdelay $0x1  }
0x1b3: {  	v4 =	vadd.s32 v1, v4;
	_ =	sdelay $0x4  }
0x1b4: {  	[tilespmem:s23], [sflag:$0x3] =	stream.indirect_vreg.gather [hbm4b:s2+s3], $0x80, v4, vm0, $0xb8;
	[tilespmem:$0x18180] =	vst v63  }
0x1b5: {  	s20 =	simm.s32 $0xC980;
	v3 =	vperm.xlane v3, v2  }
0x1b6: {  	[tilespmem:s20], [sflag:$0x3] =	stream.indirect_vreg.gather [hbm4b:s5+s3], $0x80, v4, vm0, $0xb8;
	[tilespmem:$0x18180] =	vst v63  }
0x1b7: {  	v3 =	vadd.s32 v1, v3  }
0x1b8: {  	[tilespmem:s30], [sflag:$0x3] =	stream.indirect_vreg.gather [hbm4b:s6+s3], $0x80, v4, vm0, $0xb8;
	[tilespmem:$0x18180] =	vst v63  }
0x1b9: {  	_ = 	snop  }
0x1ba: {  	[tilespmem:s1], [sflag:$0x3] =	stream.indirect_vreg.gather [hbm4b:s7+s3], $0x80, v4, vm0, $0xb8;
	[tilespmem:$0x18180] =	vst v63  }
0x1bb: {  	_ = 	snop  }
0x1bc: {  	[tilespmem:s4], [sflag:$0x3] =	stream.indirect_vreg.gather [hbm4b:s2+s3], $0x80, v3, vm0, $0xb8;
	[tilespmem:$0x18180] =	vst v63  }
0x1bd: {  	_ = 	snop  }
0x1be: {  	[tilespmem:s10], [sflag:$0x3] =	stream.indirect_vreg.gather [hbm4b:s5+s3], $0x80, v3, vm0, $0xb8;
	[tilespmem:$0x18180] =	vst v63  }
0x1bf: {  	_ = 	snop  }
0x1c0: {  	[tilespmem:s25], [sflag:$0x3] =	stream.indirect_vreg.gather [hbm4b:s6+s3], $0x80, v3, vm0, $0xb8;
	[tilespmem:$0x18180] =	vst v63  }
0x1c1: {  	s20 =	simm.s32 $0xF980  }
0x1c2: {  	[tilespmem:s20], [sflag:$0x3] =	stream.indirect_vreg.gather [hbm4b:s7+s3], $0x80, v3, vm0, $0xb8;
	[tilespmem:$0x18180] =	vst v63  }
0x1c3: {  	v3 =	vld.msk [tilespmem:$0x100], $0xff;
	_ =	sdelay $0x4  }
0x1c4: {  	v53 =	vshll.u32 v3, $0x3  }
0x1c5: {  	v3 =	vand.u32 $0x7, v3;
	v4 =	vand.u32 $0xFFFFFFC0, v53  }
0x1c6: {  	v3 =	vor.u32 v3, v4  }
0x1c7: {  	v3 =	vperm.xlane v3, v0;
	_ =	sdelay $0x1  }
0x1c8: {  	v3 =	vadd.s32 v1, v3;
	_ =	sdelay $0x4  }
0x1c9: {  	[tilespmem:s26], [sflag:$0x3] =	stream.indirect_vreg.gather [hbm4b:s2+s3], $0x80, v3, vm0, $0xb8;
	[tilespmem:$0x18180] =	vst v63  }
0x1ca: {  	_ = 	snop  }
0x1cb: {  	[tilespmem:s28], [sflag:$0x3] =	stream.indirect_vreg.gather [hbm4b:s5+s3], $0x80, v3, vm0, $0xb8;
	[tilespmem:$0x18180] =	vst v63  }
0x1cc: {  	_ = 	snop  }
0x1cd: {  	[tilespmem:s29], [sflag:$0x3] =	stream.indirect_vreg.gather [hbm4b:s6+s3], $0x80, v3, vm0, $0xb8;
	[tilespmem:$0x18180] =	vst v63  }
0x1ce: {  	s20 =	simm.s32 $0x11980  }
0x1cf: {  	[tilespmem:s20], [sflag:$0x3] =	stream.indirect_vreg.gather [hbm4b:s7+s3], $0x80, v3, vm0, $0xb8;
	[tilespmem:$0x18180] =	vst v63  }
0x1d0: {  	_ =	swait.ge [sflag:s18], $0x6000  }
0x1d1: {  	[sflag:s18] =	ssyncset.done $0x0  }
0x1d2: {  	s20 =	rddreg [dreg:$0xa];
	[sflag:s18] =	ssyncadd.s32 $0xFFFFA000  }
0x1d3: {  	[hbm4b:s20+s3] =	stream.linear.scatter [tilespmem:s0], [sflag:$0x8], $0x6000, $0x38;
	[tilespmem:$0x18180] =	vst v63  }
0x1d4: {  	_ =	swait.ge [sflag:s19], $0x6000  }
0x1d5: {  	[sflag:s19] =	ssyncset.done $0x0  }
0x1d6: {  	[sflag:s19] =	ssyncadd.s32 $0xFFFFA000  }
0x1d7: {  	v3 =	vld [tilespmem:$0x108];
	_ =	sdelay $0x4  }
0x1d8: {  	v54 =	vshll.u32 v3, $0x3  }
0x1d9: {  	v3 =	vand.u32 $0x7, v3;
	v4 =	vand.u32 $0xFFFFFFC0, v54  }
0x1da: {  	v3 =	vor.u32 v3, v4  }
0x1db: {  	v4 =	vperm.xlane v3, v0;
	_ =	sdelay $0x1  }
0x1dc: {  	v4 =	vadd.s32 v1, v4;
	_ =	sdelay $0x4  }
0x1dd: {  	[tilespmem:s0], [sflag:$0x4] =	stream.indirect_vreg.gather [hbm4b:s2+s3], $0x80, v4, vm0, $0xb8;
	[tilespmem:$0x18180] =	vst v63  }
0x1de: {  	s20 =	simm.s32 $0x12980;
	v3 =	vperm.xlane v3, v2  }
0x1df: {  	[tilespmem:s20], [sflag:$0x4] =	stream.indirect_vreg.gather [hbm4b:s5+s3], $0x80, v4, vm0, $0xb8;
	[tilespmem:$0x18180] =	vst v63  }
0x1e0: {  	v3 =	vadd.s32 v1, v3;
	s20 =	simm.s32 $0x13180  }
0x1e1: {  	[tilespmem:s20], [sflag:$0x4] =	stream.indirect_vreg.gather [hbm4b:s6+s3], $0x80, v4, vm0, $0xb8;
	[tilespmem:$0x18180] =	vst v63  }
0x1e2: {  	s20 =	simm.s32 $0x13980  }
0x1e3: {  	[tilespmem:s20], [sflag:$0x4] =	stream.indirect_vreg.gather [hbm4b:s7+s3], $0x80, v4, vm0, $0xb8;
	[tilespmem:$0x18180] =	vst v63  }
0x1e4: {  	s20 =	simm.s32 $0x14180  }
0x1e5: {  	[tilespmem:s20], [sflag:$0x4] =	stream.indirect_vreg.gather [hbm4b:s2+s3], $0x80, v3, vm0, $0xb8;
	[tilespmem:$0x18180] =	vst v63  }
0x1e6: {  	s20 =	simm.s32 $0x14980  }
0x1e7: {  	[tilespmem:s20], [sflag:$0x4] =	stream.indirect_vreg.gather [hbm4b:s5+s3], $0x80, v3, vm0, $0xb8;
	[tilespmem:$0x18180] =	vst v63  }
0x1e8: {  	s20 =	simm.s32 $0x15180  }
0x1e9: {  	[tilespmem:s20], [sflag:$0x4] =	stream.indirect_vreg.gather [hbm4b:s6+s3], $0x80, v3, vm0, $0xb8;
	[tilespmem:$0x18180] =	vst v63  }
0x1ea: {  	s20 =	simm.s32 $0x15980  }
0x1eb: {  	[tilespmem:s20], [sflag:$0x4] =	stream.indirect_vreg.gather [hbm4b:s7+s3], $0x80, v3, vm0, $0xb8;
	[tilespmem:$0x18180] =	vst v63  }
0x1ec: {  	v3 =	vld.msk [tilespmem:$0x118], $0xff;
	_ =	sdelay $0x4  }
0x1ed: {  	v55 =	vshll.u32 v3, $0x3  }
0x1ee: {  	v3 =	vand.u32 $0x7, v3;
	v4 =	vand.u32 $0xFFFFFFC0, v55  }
0x1ef: {  	v3 =	vor.u32 v3, v4  }
0x1f0: {  	v3 =	vperm.xlane v3, v0;
	_ =	sdelay $0x1  }
0x1f1: {  	v3 =	vadd.s32 v1, v3;
	_ =	sdelay $0x3  }
0x1f2: {  	s20 =	simm.s32 $0x16180  }
0x1f3: {  	[tilespmem:s20], [sflag:$0x4] =	stream.indirect_vreg.gather [hbm4b:s2+s3], $0x80, v3, vm0, $0xb8;
	[tilespmem:$0x18180] =	vst v63  }
0x1f4: {  	s20 =	simm.s32 $0x16980  }
0x1f5: {  	[tilespmem:s20], [sflag:$0x4] =	stream.indirect_vreg.gather [hbm4b:s5+s3], $0x80, v3, vm0, $0xb8;
	[tilespmem:$0x18180] =	vst v63  }
0x1f6: {  	s20 =	simm.s32 $0x17180  }
0x1f7: {  	[tilespmem:s20], [sflag:$0x4] =	stream.indirect_vreg.gather [hbm4b:s6+s3], $0x80, v3, vm0, $0xb8;
	[tilespmem:$0x18180] =	vst v63  }
0x1f8: {  	s20 =	simm.s32 $0x17980  }
0x1f9: {  	[tilespmem:s20], [sflag:$0x4] =	stream.indirect_vreg.gather [hbm4b:s7+s3], $0x80, v3, vm0, $0xb8;
	[tilespmem:$0x18180] =	vst v63  }
0x1fa: {  	_ =	swait.ge [sflag:s12], $0x6000  }
0x1fb: {  	[sflag:s12] =	ssyncset.done $0x0  }
0x1fc: {  	s20 =	rddreg [dreg:$0xb];
	[sflag:s12] =	ssyncadd.s32 $0xFFFFA000  }
0x1fd: {  	[hbm4b:s20+s3] =	stream.linear.scatter [tilespmem:s22], [sflag:$0x5], $0x6000, $0x38;
	[tilespmem:$0x18180] =	vst v63  }
0x1fe: {  	_ =	swait.ge [sflag:s13], $0x6000  }
0x1ff: {  	[sflag:s13] =	ssyncset.done $0x0  }
0x200: {  	[sflag:s13] =	ssyncadd.s32 $0xFFFFA000  }
0x201: {  	v3 =	vld [tilespmem:$0x120];
	_ =	sdelay $0x4  }
0x202: {  	v56 =	vshll.u32 v3, $0x3  }
0x203: {  	v3 =	vand.u32 $0x7, v3;
	v4 =	vand.u32 $0xFFFFFFC0, v56  }
0x204: {  	v3 =	vor.u32 v3, v4  }
0x205: {  	v4 =	vperm.xlane v3, v0;
	_ =	sdelay $0x1  }
0x206: {  	v4 =	vadd.s32 v1, v4;
	_ =	sdelay $0x4  }
0x207: {  	[tilespmem:s22], [sflag:$0x1] =	stream.indirect_vreg.gather [hbm4b:s2+s3], $0x80, v4, vm0, $0xb8;
	[tilespmem:$0x18180] =	vst v63  }
0x208: {  	s20 =	simm.s32 $0x980;
	v3 =	vperm.xlane v3, v2  }
0x209: {  	[tilespmem:s20], [sflag:$0x1] =	stream.indirect_vreg.gather [hbm4b:s5+s3], $0x80, v4, vm0, $0xb8;
	[tilespmem:$0x18180] =	vst v63  }
0x20a: {  	v3 =	vadd.s32 v1, v3;
	s20 =	simm.s32 $0x1180  }
0x20b: {  	[tilespmem:s20], [sflag:$0x1] =	stream.indirect_vreg.gather [hbm4b:s6+s3], $0x80, v4, vm0, $0xb8;
	[tilespmem:$0x18180] =	vst v63  }
0x20c: {  	s20 =	simm.s32 $0x1980  }
0x20d: {  	[tilespmem:s20], [sflag:$0x1] =	stream.indirect_vreg.gather [hbm4b:s7+s3], $0x80, v4, vm0, $0xb8;
	[tilespmem:$0x18180] =	vst v63  }
0x20e: {  	s20 =	simm.s32 $0x2180  }
0x20f: {  	[tilespmem:s20], [sflag:$0x1] =	stream.indirect_vreg.gather [hbm4b:s2+s3], $0x80, v3, vm0, $0xb8;
	[tilespmem:$0x18180] =	vst v63  }
0x210: {  	s20 =	simm.s32 $0x2980  }
0x211: {  	[tilespmem:s20], [sflag:$0x1] =	stream.indirect_vreg.gather [hbm4b:s5+s3], $0x80, v3, vm0, $0xb8;
	[tilespmem:$0x18180] =	vst v63  }
0x212: {  	s20 =	simm.s32 $0x3180  }
0x213: {  	[tilespmem:s20], [sflag:$0x1] =	stream.indirect_vreg.gather [hbm4b:s6+s3], $0x80, v3, vm0, $0xb8;
	[tilespmem:$0x18180] =	vst v63  }
0x214: {  	s20 =	simm.s32 $0x3980  }
0x215: {  	[tilespmem:s20], [sflag:$0x1] =	stream.indirect_vreg.gather [hbm4b:s7+s3], $0x80, v3, vm0, $0xb8;
	[tilespmem:$0x18180] =	vst v63  }
0x216: {  	v3 =	vld.msk [tilespmem:$0x130], $0xff;
	_ =	sdelay $0x4  }
0x217: {  	v57 =	vshll.u32 v3, $0x3  }
0x218: {  	v3 =	vand.u32 $0x7, v3;
	v4 =	vand.u32 $0xFFFFFFC0, v57  }
0x219: {  	v3 =	vor.u32 v3, v4  }
0x21a: {  	v3 =	vperm.xlane v3, v0;
	_ =	sdelay $0x1  }
0x21b: {  	v3 =	vadd.s32 v1, v3;
	_ =	sdelay $0x3  }
0x21c: {  	s20 =	simm.s32 $0x4180  }
0x21d: {  	[tilespmem:s20], [sflag:$0x1] =	stream.indirect_vreg.gather [hbm4b:s2+s3], $0x80, v3, vm0, $0xb8;
	[tilespmem:$0x18180] =	vst v63  }
0x21e: {  	s20 =	simm.s32 $0x4980  }
0x21f: {  	[tilespmem:s20], [sflag:$0x1] =	stream.indirect_vreg.gather [hbm4b:s5+s3], $0x80, v3, vm0, $0xb8;
	[tilespmem:$0x18180] =	vst v63  }
0x220: {  	s20 =	simm.s32 $0x5180  }
0x221: {  	[tilespmem:s20], [sflag:$0x1] =	stream.indirect_vreg.gather [hbm4b:s6+s3], $0x80, v3, vm0, $0xb8;
	[tilespmem:$0x18180] =	vst v63  }
0x222: {  	s20 =	simm.s32 $0x5980  }
0x223: {  	[tilespmem:s20], [sflag:$0x1] =	stream.indirect_vreg.gather [hbm4b:s7+s3], $0x80, v3, vm0, $0xb8;
	[tilespmem:$0x18180] =	vst v63  }
0x224: {  	_ =	swait.ge [sflag:s14], $0x6000  }
0x225: {  	[sflag:s14] =	ssyncset.done $0x0  }
0x226: {  	s20 =	rddreg [dreg:$0xc];
	[sflag:s14] =	ssyncadd.s32 $0xFFFFA000  }
0x227: {  	[hbm4b:s20+s3] =	stream.linear.scatter [tilespmem:s9], [sflag:$0x6], $0x6000, $0x38;
	[tilespmem:$0x18180] =	vst v63  }
0x228: {  	_ =	swait.ge [sflag:s15], $0x6000  }
0x229: {  	[sflag:s15] =	ssyncset.done $0x0  }
0x22a: {  	[sflag:s15] =	ssyncadd.s32 $0xFFFFA000  }
0x22b: {  	v3 =	vld [tilespmem:$0x138];
	_ =	sdelay $0x4  }
0x22c: {  	v58 =	vshll.u32 v3, $0x3  }
0x22d: {  	v3 =	vand.u32 $0x7, v3;
	v4 =	vand.u32 $0xFFFFFFC0, v58  }
0x22e: {  	v3 =	vor.u32 v3, v4  }
0x22f: {  	v4 =	vperm.xlane v3, v0;
	_ =	sdelay $0x1  }
0x230: {  	v4 =	vadd.s32 v1, v4;
	_ =	sdelay $0x4  }
0x231: {  	[tilespmem:s9], [sflag:$0x2] =	stream.indirect_vreg.gather [hbm4b:s2+s3], $0x80, v4, vm0, $0xb8;
	[tilespmem:$0x18180] =	vst v63  }
0x232: {  	s20 =	simm.s32 $0x6980;
	v3 =	vperm.xlane v3, v2  }
0x233: {  	[tilespmem:s20], [sflag:$0x2] =	stream.indirect_vreg.gather [hbm4b:s5+s3], $0x80, v4, vm0, $0xb8;
	[tilespmem:$0x18180] =	vst v63  }
0x234: {  	v3 =	vadd.s32 v1, v3;
	s20 =	simm.s32 $0x7180  }
0x235: {  	[tilespmem:s20], [sflag:$0x2] =	stream.indirect_vreg.gather [hbm4b:s6+s3], $0x80, v4, vm0, $0xb8;
	[tilespmem:$0x18180] =	vst v63  }
0x236: {  	s20 =	simm.s32 $0x7980  }
0x237: {  	[tilespmem:s20], [sflag:$0x2] =	stream.indirect_vreg.gather [hbm4b:s7+s3], $0x80, v4, vm0, $0xb8;
	[tilespmem:$0x18180] =	vst v63  }
0x238: {  	s20 =	simm.s32 $0x8180  }
0x239: {  	[tilespmem:s20], [sflag:$0x2] =	stream.indirect_vreg.gather [hbm4b:s2+s3], $0x80, v3, vm0, $0xb8;
	[tilespmem:$0x18180] =	vst v63  }
0x23a: {  	s20 =	simm.s32 $0x8980  }
0x23b: {  	[tilespmem:s20], [sflag:$0x2] =	stream.indirect_vreg.gather [hbm4b:s5+s3], $0x80, v3, vm0, $0xb8;
	[tilespmem:$0x18180] =	vst v63  }
0x23c: {  	s20 =	simm.s32 $0x9180  }
0x23d: {  	[tilespmem:s20], [sflag:$0x2] =	stream.indirect_vreg.gather [hbm4b:s6+s3], $0x80, v3, vm0, $0xb8;
	[tilespmem:$0x18180] =	vst v63  }
0x23e: {  	s20 =	simm.s32 $0x9980  }
0x23f: {  	[tilespmem:s20], [sflag:$0x2] =	stream.indirect_vreg.gather [hbm4b:s7+s3], $0x80, v3, vm0, $0xb8;
	[tilespmem:$0x18180] =	vst v63  }
0x240: {  	v3 =	vld.msk [tilespmem:$0x148], $0xff;
	_ =	sdelay $0x4  }
0x241: {  	v59 =	vshll.u32 v3, $0x3  }
0x242: {  	v3 =	vand.u32 $0x7, v3;
	v4 =	vand.u32 $0xFFFFFFC0, v59  }
0x243: {  	v3 =	vor.u32 v3, v4  }
0x244: {  	v3 =	vperm.xlane v3, v0;
	_ =	sdelay $0x1  }
0x245: {  	v3 =	vadd.s32 v1, v3;
	_ =	sdelay $0x3  }
0x246: {  	s31 =	simm.s32 $0xA180  }
0x247: {  	[tilespmem:s31], [sflag:$0x2] =	stream.indirect_vreg.gather [hbm4b:s2+s3], $0x80, v3, vm0, $0xb8;
	[tilespmem:$0x18180] =	vst v63  }
0x248: {  	s11 =	simm.s32 $0xA980  }
0x249: {  	[tilespmem:s11], [sflag:$0x2] =	stream.indirect_vreg.gather [hbm4b:s5+s3], $0x80, v3, vm0, $0xb8;
	[tilespmem:$0x18180] =	vst v63  }
0x24a: {  	s21 =	simm.s32 $0xB180  }
0x24b: {  	[tilespmem:s21], [sflag:$0x2] =	stream.indirect_vreg.gather [hbm4b:s6+s3], $0x80, v3, vm0, $0xb8;
	[tilespmem:$0x18180] =	vst v63  }
0x24c: {  	s24 =	simm.s32 $0xB980  }
0x24d: {  	[tilespmem:s24], [sflag:$0x2] =	stream.indirect_vreg.gather [hbm4b:s7+s3], $0x80, v3, vm0, $0xb8;
	[tilespmem:$0x18180] =	vst v63  }
0x24e: {  	_ =	swait.ge [sflag:s16], $0x6000  }
0x24f: {  	[sflag:s16] =	ssyncset.done $0x0  }
0x250: {  	s21 =	rddreg [dreg:$0xd];
	[sflag:s16] =	ssyncadd.s32 $0xFFFFA000  }
0x251: {  	[hbm4b:s21+s3] =	stream.linear.scatter [tilespmem:s23], [sflag:$0x7], $0x6000, $0x38;
	[tilespmem:$0x18180] =	vst v63  }
0x252: {  	_ =	swait.ge [sflag:s17], $0x6000  }
0x253: {  	[sflag:s17] =	ssyncset.done $0x0  }
0x254: {  	[sflag:s17] =	ssyncadd.s32 $0xFFFFA000  }
0x255: {  	v3 =	vld [tilespmem:$0x150];
	_ =	sdelay $0x4  }
0x256: {  	v60 =	vshll.u32 v3, $0x3  }
0x257: {  	v3 =	vand.u32 $0x7, v3;
	v4 =	vand.u32 $0xFFFFFFC0, v60  }
0x258: {  	v3 =	vor.u32 v3, v4  }
0x259: {  	v4 =	vperm.xlane v3, v0;
	_ =	sdelay $0x1  }
0x25a: {  	v4 =	vadd.s32 v1, v4;
	_ =	sdelay $0x4  }
0x25b: {  	[tilespmem:s23], [sflag:$0x3] =	stream.indirect_vreg.gather [hbm4b:s2+s3], $0x80, v4, vm0, $0xb8;
	[tilespmem:$0x18180] =	vst v63  }
0x25c: {  	s24 =	simm.s32 $0xC980;
	v3 =	vperm.xlane v3, v2  }
0x25d: {  	[tilespmem:s24], [sflag:$0x3] =	stream.indirect_vreg.gather [hbm4b:s5+s3], $0x80, v4, vm0, $0xb8;
	[tilespmem:$0x18180] =	vst v63  }
0x25e: {  	s30 =	simm.s32 $0xD180;
	v3 =	vadd.s32 v1, v3  }
0x25f: {  	[tilespmem:s30], [sflag:$0x3] =	stream.indirect_vreg.gather [hbm4b:s6+s3], $0x80, v4, vm0, $0xb8;
	[tilespmem:$0x18180] =	vst v63  }
0x260: {  	s1 =	simm.s32 $0xD980  }
0x261: {  	[tilespmem:s1], [sflag:$0x3] =	stream.indirect_vreg.gather [hbm4b:s7+s3], $0x80, v4, vm0, $0xb8;
	[tilespmem:$0x18180] =	vst v63  }
0x262: {  	s4 =	simm.s32 $0xE180  }
0x263: {  	[tilespmem:s4], [sflag:$0x3] =	stream.indirect_vreg.gather [hbm4b:s2+s3], $0x80, v3, vm0, $0xb8;
	[tilespmem:$0x18180] =	vst v63  }
0x264: {  	s10 =	simm.s32 $0xE980  }
0x265: {  	[tilespmem:s10], [sflag:$0x3] =	stream.indirect_vreg.gather [hbm4b:s5+s3], $0x80, v3, vm0, $0xb8;
	[tilespmem:$0x18180] =	vst v63  }
0x266: {  	s25 =	simm.s32 $0xF180  }
0x267: {  	[tilespmem:s25], [sflag:$0x3] =	stream.indirect_vreg.gather [hbm4b:s6+s3], $0x80, v3, vm0, $0xb8;
	[tilespmem:$0x18180] =	vst v63  }
0x268: {  	s25 =	simm.s32 $0xF980  }
0x269: {  	[tilespmem:s25], [sflag:$0x3] =	stream.indirect_vreg.gather [hbm4b:s7+s3], $0x80, v3, vm0, $0xb8;
	[tilespmem:$0x18180] =	vst v63  }
0x26a: {  	v3 =	vld.msk [tilespmem:$0x160], $0xff;
	_ =	sdelay $0x4  }
0x26b: {  	v61 =	vshll.u32 v3, $0x3  }
0x26c: {  	v3 =	vand.u32 $0x7, v3;
	v4 =	vand.u32 $0xFFFFFFC0, v61  }
0x26d: {  	v3 =	vor.u32 v3, v4  }
0x26e: {  	v3 =	vperm.xlane v3, v0;
	_ =	sdelay $0x1  }
0x26f: {  	v3 =	vadd.s32 v1, v3;
	_ =	sdelay $0x3  }
0x270: {  	s26 =	simm.s32 $0x10180  }
0x271: {  	[tilespmem:s26], [sflag:$0x3] =	stream.indirect_vreg.gather [hbm4b:s2+s3], $0x80, v3, vm0, $0xb8;
	[tilespmem:$0x18180] =	vst v63  }
0x272: {  	s28 =	simm.s32 $0x10980  }
0x273: {  	[tilespmem:s28], [sflag:$0x3] =	stream.indirect_vreg.gather [hbm4b:s5+s3], $0x80, v3, vm0, $0xb8;
	[tilespmem:$0x18180] =	vst v63  }
0x274: {  	s29 =	simm.s32 $0x11180  }
0x275: {  	[tilespmem:s29], [sflag:$0x3] =	stream.indirect_vreg.gather [hbm4b:s6+s3], $0x80, v3, vm0, $0xb8;
	[tilespmem:$0x18180] =	vst v63  }
0x276: {  	s26 =	simm.s32 $0x11980  }
0x277: {  	[tilespmem:s26], [sflag:$0x3] =	stream.indirect_vreg.gather [hbm4b:s7+s3], $0x80, v3, vm0, $0xb8;
	[tilespmem:$0x18180] =	vst v63  }
0x278: {  	_ =	swait.ge [sflag:s18], $0x6000  }
0x279: {  	[sflag:s18] =	ssyncset.done $0x0  }
0x27a: {  	s28 =	rddreg [dreg:$0xe];
	[sflag:s18] =	ssyncadd.s32 $0xFFFFA000  }
0x27b: {  	[hbm4b:s28+s3] =	stream.linear.scatter [tilespmem:s0], [sflag:$0x8], $0x6000, $0x38;
	[tilespmem:$0x18180] =	vst v63  }
0x27c: {  	_ =	swait.ge [sflag:s19], $0x6000  }
0x27d: {  	[sflag:s19] =	ssyncset.done $0x0  }
0x27e: {  	[sflag:s19] =	ssyncadd.s32 $0xFFFFA000  }
0x27f: {  	v3 =	vld [tilespmem:$0x168];
	_ =	sdelay $0x4  }
0x280: {  	v62 =	vshll.u32 v3, $0x3  }
0x281: {  	v3 =	vand.u32 $0x7, v3;
	v4 =	vand.u32 $0xFFFFFFC0, v62  }
0x282: {  	v3 =	vor.u32 v3, v4  }
0x283: {  	v4 =	vperm.xlane v3, v0;
	_ =	sdelay $0x1  }
0x284: {  	v4 =	vadd.s32 v1, v4;
	_ =	sdelay $0x4  }
0x285: {  	[tilespmem:s0], [sflag:$0x4] =	stream.indirect_vreg.gather [hbm4b:s2+s3], $0x80, v4, vm0, $0xb8;
	[tilespmem:$0x18180] =	vst v63  }
0x286: {  	s29 =	simm.s32 $0x12980;
	v3 =	vperm.xlane v3, v2  }
0x287: {  	[tilespmem:s29], [sflag:$0x4] =	stream.indirect_vreg.gather [hbm4b:s5+s3], $0x80, v4, vm0, $0xb8;
	[tilespmem:$0x18180] =	vst v63  }
0x288: {  	s30 =	simm.s32 $0x13180;
	v3 =	vadd.s32 v1, v3  }
0x289: {  	[tilespmem:s30], [sflag:$0x4] =	stream.indirect_vreg.gather [hbm4b:s6+s3], $0x80, v4, vm0, $0xb8;
	[tilespmem:$0x18180] =	vst v63  }
0x28a: {  	s31 =	simm.s32 $0x13980  }
0x28b: {  	[tilespmem:s31], [sflag:$0x4] =	stream.indirect_vreg.gather [hbm4b:s7+s3], $0x80, v4, vm0, $0xb8;
	[tilespmem:$0x18180] =	vst v63  }
0x28c: {  	s4 =	simm.s32 $0x14180  }
0x28d: {  	[tilespmem:s4], [sflag:$0x4] =	stream.indirect_vreg.gather [hbm4b:s2+s3], $0x80, v3, vm0, $0xb8;
	[tilespmem:$0x18180] =	vst v63  }
0x28e: {  	s10 =	simm.s32 $0x14980  }
0x28f: {  	[tilespmem:s10], [sflag:$0x4] =	stream.indirect_vreg.gather [hbm4b:s5+s3], $0x80, v3, vm0, $0xb8;
	[tilespmem:$0x18180] =	vst v63  }
0x290: {  	s11 =	simm.s32 $0x15180  }
0x291: {  	[tilespmem:s11], [sflag:$0x4] =	stream.indirect_vreg.gather [hbm4b:s6+s3], $0x80, v3, vm0, $0xb8;
	[tilespmem:$0x18180] =	vst v63  }
0x292: {  	s20 =	simm.s32 $0x15980  }
0x293: {  	[tilespmem:s20], [sflag:$0x4] =	stream.indirect_vreg.gather [hbm4b:s7+s3], $0x80, v3, vm0, $0xb8;
	[tilespmem:$0x18180] =	vst v63  }
0x294: {  	v3 =	vld.msk [tilespmem:$0x178], $0xff;
	_ =	sdelay $0x4  }
0x295: {  	v63 =	vshll.u32 v3, $0x3  }
0x296: {  	v3 =	vand.u32 $0x7, v3;
	v4 =	vand.u32 $0xFFFFFFC0, v63  }
0x297: {  	v3 =	vor.u32 v3, v4  }
0x298: {  	v3 =	vperm.xlane v3, v0;
	_ =	sdelay $0x1  }
0x299: {  	v3 =	vadd.s32 v1, v3;
	_ =	sdelay $0x3  }
0x29a: {  	s21 =	simm.s32 $0x16180  }
0x29b: {  	[tilespmem:s21], [sflag:$0x4] =	stream.indirect_vreg.gather [hbm4b:s2+s3], $0x80, v3, vm0, $0xb8;
	[tilespmem:$0x18180] =	vst v63  }
0x29c: {  	s24 =	simm.s32 $0x16980  }
0x29d: {  	[tilespmem:s24], [sflag:$0x4] =	stream.indirect_vreg.gather [hbm4b:s5+s3], $0x80, v3, vm0, $0xb8;
	[tilespmem:$0x18180] =	vst v63  }
0x29e: {  	s25 =	simm.s32 $0x17180  }
0x29f: {  	[tilespmem:s25], [sflag:$0x4] =	stream.indirect_vreg.gather [hbm4b:s6+s3], $0x80, v3, vm0, $0xb8;
	[tilespmem:$0x18180] =	vst v63  }
0x2a0: {  	s26 =	simm.s32 $0x17980  }
0x2a1: {  	[tilespmem:s26], [sflag:$0x4] =	stream.indirect_vreg.gather [hbm4b:s7+s3], $0x80, v3, vm0, $0xb8;
	[tilespmem:$0x18180] =	vst v63  }
0x2a2: {  	_ =	swait.ge [sflag:s12], $0x6000  }
0x2a3: {  	[sflag:s12] =	ssyncset.done $0x0  }
0x2a4: {  	s28 =	rddreg [dreg:$0xf];
	[sflag:s12] =	ssyncadd.s32 $0xFFFFA000  }
0x2a5: {  	[hbm4b:s28+s3] =	stream.linear.scatter [tilespmem:s22], [sflag:$0x5], $0x6000, $0x38;
	[tilespmem:$0x18180] =	vst v63  }
0x2a6: {  	_ =	swait.ge [sflag:s14], $0x6000  }
0x2a7: {  	[sflag:s14] =	ssyncset.done $0x0  }
0x2a8: {  	s29 =	rddreg [dreg:$0x10];
	[sflag:s14] =	ssyncadd.s32 $0xFFFFA000  }
0x2a9: {  	[hbm4b:s29+s3] =	stream.linear.scatter [tilespmem:s9], [sflag:$0x6], $0x6000, $0x38;
	[tilespmem:$0x18180] =	vst v63  }
0x2aa: {  	_ =	swait.ge [sflag:s16], $0x6000  }
0x2ab: {  	[sflag:s16] =	ssyncset.done $0x0  }
0x2ac: {  	s30 =	rddreg [dreg:$0x11];
	[sflag:s16] =	ssyncadd.s32 $0xFFFFA000  }
0x2ad: {  	[hbm4b:s30+s3] =	stream.linear.scatter [tilespmem:s23], [sflag:$0x7], $0x6000, $0x38;
	[tilespmem:$0x18180] =	vst v63  }
0x2ae: {  	_ =	swait.ge [sflag:s18], $0x6000  }
0x2af: {  	[sflag:s18] =	ssyncset.done $0x0  }
0x2b0: {  	s31 =	rddreg [dreg:$0x12];
	[sflag:s18] =	ssyncadd.s32 $0xFFFFA000  }
0x2b1: {  	[hbm4b:s31+s3] =	stream.linear.scatter [tilespmem:s0], [sflag:$0x8], $0x6000, $0x38;
	[tilespmem:$0x18180] =	vst v63  }
0x2b2: {  	_ =	swait.ge [sflag:s13], $0x6000  }
0x2b3: {  	[sflag:s13] =	ssyncset.done $0x0  }
0x2b4: {  	[sflag:s13] =	ssyncadd.s32 $0xFFFFA000  }
0x2b5: {  	_ =	swait.ge [sflag:s15], $0x6000  }
0x2b6: {  	[sflag:s15] =	ssyncset.done $0x0  }
0x2b7: {  	[sflag:s15] =	ssyncadd.s32 $0xFFFFA000  }
0x2b8: {  	p0 =	sne.s32 s8, $0x1;
	_ =	swait.ge [sflag:s17], $0x6000  }
.Ltmp0:
0x2b9: {  	[sflag:s17] =	ssyncset.done $0x0;
	(pc) =	sbr.rel @p0 .LBB2_1-.Ltmp0, $4  }
0x2ba: {  	[sflag:s17] =	ssyncadd.s32 $0xFFFFA000  }
0x2bb: {  	_ =	swait.ge [sflag:s19], $0x6000  }
0x2bc: {  	[sflag:s19] =	ssyncset.done $0x0  }
0x2bd: {  	s8 =	sadd.s32 $0xFFFFFFFF, s8;
	[sflag:s19] =	ssyncadd.s32 $0xFFFFA000  }
0x2be: {  	_ =	sfence.sel $0x180000  }
0x2bf: {  	[bflag:$0x0] =	sbarrier.arrive $0xFFFF  }
0x2c0: {  	_ =	strace $0x90000047  }
0x2c1: {  	s0 =	stileid.u32;
	[bflag:$0x2] =	sbarrier.arrive $0xFFFF  }
0x2c2: {  	p0 =	sne.s32 s0, $0x0;
	s0 =	rddreg [dreg:$0x2]  }
0x2c3: {  	s0 =	sadd.s32 @!p0 $0x100000, s0  }
0x2c4: {  	[sflag:s0] =	ssyncadd.tile.s32 @!p0 $0x1;
	_ =	shalt  }
.Lfunc_end2:
_tile_overlayer_lowered:
.L_overlay_start_2:
0x2c5: {  	(tag) =	ssettag $0x2  }
0x2c6: {  	s0 =	rddreg [dreg:$0x0];
	s2 =	stileid.u32  }
0x2c7: {  	s1 =	rddreg [dreg:$0x1];
	p0 =	sne.s32 s2, $0x0  }
0x2c8: {  	s3 =	rddreg [dreg:$0x2];
	[bflag:$0x3] =	sbarrier.arrive $0xFFFF;
	s2 =	simm.s32 @!p0 $0x1C09  }
0x2c9: {  	[timem:s3], [sflag:s2] =	dma.local @!p0 [hbm:s0], s1  }
0x2ca: {  	s0 =	simm.s32 @!p0 $0x9  }
0x2cb: {  	_ =	swait.ge @!p0 [sflag:s0], s1  }
0x2cc: {  	s1 =	ssub.s32 @!p0 $0x0, s1;
	[sflag:s0] =	ssyncset.done @!p0 $0x0  }
0x2cd: {  	[sflag:s0] =	ssyncadd.s32 @!p0 s1  }
0x2ce: {  	[bflag:$0x3] =	sbarrier.arrive $0xFFFF  }
0x2cf: {  	_ =	shalt  }

</sc_bundles>
